<compile_context>
chip_gen: v7x
topology: tpu7x:2x2x1
jax: 0.10.2.dev20260603
libtpu: 0.0.44.dev20260713+nightly
codegen_flags: <defaults>
</compile_context>

<pallas_src>
import functools

import jax
import jax.numpy as jnp
from jax import lax
from jax.experimental import pallas as pl
from jax.experimental.pallas import tpu as pltpu
from jax.experimental.pallas import tpu_sc as plsc

N = 50000
E = 800000
EMBED = 64
HEADS = 8
HEAD_DIM = EMBED // HEADS

_NW = 32
_PER_W = E // _NW
_GCH = 200


def _sc_gather(tab, src, dst):
    mesh = plsc.VectorSubcoreMesh(core_axis_name="c", subcore_axis_name="s")

    @functools.partial(
        pl.kernel,
        out_type=(jax.ShapeDtypeStruct((E, 128), jnp.float32),
                  jax.ShapeDtypeStruct((E, 128), jnp.float32)),
        mesh=mesh,
        scratch_types=[
            pltpu.VMEM((_GCH,), jnp.int32),
            pltpu.VMEM((_GCH,), jnp.int32),
            pltpu.VMEM((_GCH, 128), jnp.float32),
            pltpu.VMEM((_GCH, 128), jnp.float32),
            pltpu.SemaphoreType.DMA,
            pltpu.SemaphoreType.DMA,
        ],
    )
    def k(tab_hbm, src_hbm, dst_hbm, os_hbm, od_hbm, si, di, bb, qb, s0, s1):
        wid = lax.axis_index("s") * 2 + lax.axis_index("c")
        base = wid * _PER_W

        @pl.loop(0, _PER_W // _GCH)
        def _(i):
            off = base + i * _GCH
            pltpu.sync_copy(src_hbm.at[pl.ds(off, _GCH)], si)
            pltpu.sync_copy(dst_hbm.at[pl.ds(off, _GCH)], di)
            cb = pltpu.async_copy(tab_hbm.at[si], bb, s0)
            cq = pltpu.async_copy(tab_hbm.at[di], qb, s1)
            cb.wait()
            cq.wait()
            pltpu.sync_copy(bb, os_hbm.at[pl.ds(off, _GCH)])
            pltpu.sync_copy(qb, od_hbm.at[pl.ds(off, _GCH)])

    return k(tab, src, dst)


_SCH = 128
_SE_A = 50048
_SE_LAST = E - 15 * _SE_A
_Q = 12512
_AR = 12800


def _sc_scatter(payload, dst, zeros128):
    mesh = plsc.VectorSubcoreMesh(core_axis_name="c", subcore_axis_name="s")

    @functools.partial(
        pl.kernel,
        out_type=jax.ShapeDtypeStruct((4 * _Q, 128), jnp.float32),
        mesh=mesh,
        scratch_types=[
            pltpu.VMEM((_SCH, 128), jnp.float32),
            pltpu.VMEM((_SCH,), jnp.int32),
            pltpu.VMEM_SHARED((_AR, 128), jnp.float32),
            pltpu.SemaphoreType.DMA,
        ],
    )
    def k(p_hbm, dst_hbm, z_hbm, o_hbm, pay, idx, acc, sem):
        c = lax.axis_index("c")
        s = lax.axis_index("s")
        trash = _Q + s
        ebase = s * _SE_A

        for p in range(2):
            qbase = (2 * p + c) * _Q
            @pl.loop(0, 5)
            def _(j):
                pltpu.sync_copy(z_hbm, acc.at[pl.ds(s * 800 + j * 160, 160)])

            plsc.subcore_barrier()

            def run(nch):
                @pl.loop(0, nch)
                def _(i):
                    off = ebase + i * _SCH
                    pltpu.sync_copy(dst_hbm.at[pl.ds(off, _SCH)], idx)
                    pltpu.sync_copy(p_hbm.at[pl.ds(off, _SCH)], pay)

                    @pl.loop(0, _SCH // 16)
                    def _(j):
                        d = idx[pl.ds(j * 16, 16)] - qbase
                        ok = (d >= 0) & (d < _Q)
                        idx[pl.ds(j * 16, 16)] = jnp.where(ok, d, trash)

                    pltpu.sync_copy(pay, acc.at[idx], add=True)

            @pl.when(s < 15)
            def _():
                run(_SE_A // _SCH)

            @pl.when(s == 15)
            def _():
                run(_SE_LAST // _SCH)

            plsc.subcore_barrier()
            @pl.when(s < 15)
            def _():
                pltpu.sync_copy(acc.at[pl.ds(s * 784, 784)],
                                o_hbm.at[pl.ds(qbase + s * 784, 784)])

            @pl.when(s == 15)
            def _():
                pltpu.sync_copy(acc.at[pl.ds(15 * 784, _Q - 15 * 784)],
                                o_hbm.at[pl.ds(qbase + 15 * 784, _Q - 15 * 784)])

            plsc.subcore_barrier()

    return k(payload, dst, zeros128)


_BE = 2000


def _edge_dense(ea, os_, od_, w, sel, selt):
    (b1w1, b1b1, b1g1, b1be1, b1w2, b1b2,
     ag1, abe1, aw, ab, ag2, abe2, kw, kb, vw, vb) = w

    def body(ea_r, os_r, od_r, b1w1_r, b1b1_r, b1g1_r, b1be1_r, b1w2_r,
             b1b2_r, ag1_r, abe1_r, aw_r, ab_r, ag2_r, abe2_r, kw_r, kb_r,
             vw_r, vb_r, sel_r, selt_r, out_r):
        h1 = jax.nn.relu(_ln(ea_r[...] @ b1w1_r[...] + b1b1_r[...],
                             b1g1_r[...], b1be1_r[...]))
        s = os_r[:, :64] + h1 @ b1w2_r[...] + b1b2_r[...]
        hn = jax.nn.relu(_ln(s, ag1_r[...], abe1_r[...]))
        nbr = _ln(hn @ aw_r[...] + ab_r[...], ag2_r[...], abe2_r[...])
        k = nbr @ kw_r[...] + kb_r[...]
        v = nbr @ vw_r[...] + vb_r[...]
        q = od_r[:, 64:]
        ex = jnp.exp((q * k) @ sel_r[...])
        evx = v * (ex @ selt_r[...])
        out_r[:, 0:8] = ex
        out_r[:, 8:72] = evx
        out_r[:, 72:128] = jnp.zeros((_BE, 56), jnp.float32)

    full = lambda shp: pl.BlockSpec(shp, lambda i: (0, 0))
    blk = lambda c: pl.BlockSpec((_BE, c), lambda i: (i, 0))
    return pl.pallas_call(
        body,
        grid=(E // _BE,),
        in_specs=[blk(2), blk(128), blk(128),
                  full((2, 64)), full((1, 64)), full((1, 64)), full((1, 64)),
                  full((64, 64)), full((1, 64)),
                  full((1, 64)), full((1, 64)), full((64, 64)), full((1, 64)),
                  full((1, 64)), full((1, 64)),
                  full((64, 64)), full((1, 64)), full((64, 64)), full((1, 64)),
                  full((64, 8)), full((8, 64))],
        out_specs=blk(128),
        out_shape=jax.ShapeDtypeStruct((E, 128), jnp.float32),
    )(ea, os_, od_, b1w1, b1b1.reshape(1, 64), b1g1.reshape(1, 64),
      b1be1.reshape(1, 64), b1w2, b1b2.reshape(1, 64), ag1.reshape(1, 64),
      abe1.reshape(1, 64), aw, ab.reshape(1, 64), ag2.reshape(1, 64),
      abe2.reshape(1, 64), kw, kb.reshape(1, 64), vw, vb.reshape(1, 64),
      sel, selt)


def _ln(x, g, b, eps=1e-5):
    m = x.mean(-1, keepdims=True)
    v = ((x - m) ** 2).mean(-1, keepdims=True)
    return (x - m) / jnp.sqrt(v + eps) * g + b


def _lin(x, w, b):
    return x @ w + b


def kernel(x, t, edge_index, edge_attr, bos_mask, params):
    p = params
    cp = p['center']
    h = jax.nn.relu(_ln(_lin(x, cp['w1'], cp['b1']), cp['g1'], cp['be1']))
    h = jax.nn.relu(_ln(_lin(h, cp['w2'], cp['b2']), cp['g2'], cp['be2']))
    center = _ln(_lin(h, cp['w3'], cp['b3']), cp['g3'], cp['be3'])
    center = jnp.where(bos_mask[:, None], p['bos_token'][t], center)
    ce_n = _ln(center, p['norm1']['g'], p['norm1']['b'])
    qn = _lin(ce_n, p['lin_q']['w'], p['lin_q']['b'])
    b0 = p['nbr']['branch0']
    hb = jax.nn.relu(_ln(_lin(x, b0['w1'], b0['b1']), b0['g1'], b0['be1']))
    b0n = _lin(hb, b0['w2'], b0['b2'])

    src = edge_index[0]
    dst = edge_index[1]
    b1 = p['nbr']['branch1']
    a = p['nbr']['aggr']
    tab = jnp.concatenate([b0n, qn], axis=1)
    os_, od_ = _sc_gather(tab, src, dst)
    sel = jnp.repeat(jnp.eye(8, dtype=jnp.float32), HEAD_DIM, axis=0)
    w = (b1['w1'], b1['b1'], b1['g1'], b1['be1'], b1['w2'], b1['b2'],
         a['g1'], a['be1'], a['w'], a['b'], a['g2'], a['be2'],
         p['lin_k']['w'], p['lin_k']['b'], p['lin_v']['w'], p['lin_v']['b'])
    payload = _edge_dense(edge_attr, os_, od_, w,
                          sel / (HEAD_DIM ** 0.5), sel.T)
    zeros128 = jnp.zeros((160, 128), jnp.float32)
    o = _sc_scatter(payload, dst, zeros128)
    denom = o[:N, :8]
    num = o[:N, 8:72]
    agg = num / jnp.repeat(denom + 1e-16, HEAD_DIM, axis=-1)

    gate = jax.nn.sigmoid(_lin(agg, p['lin_ih']['w'], p['lin_ih']['b']) +
                          _lin(ce_n, p['lin_hh']['w'], p['lin_hh']['b']))
    upd = agg + gate * (_lin(ce_n, p['lin_self']['w'], p['lin_self']['b']) - agg)
    center = center + _lin(upd, p['out_proj']['w'], p['out_proj']['b'])
    h = _ln(center, p['norm2']['g'], p['norm2']['b'])
    h = jax.nn.relu(_lin(h, p['mlp']['w1'], p['mlp']['b1']))
    center = center + _lin(h, p['mlp']['w2'], p['mlp']['b2'])
    return center

# --- scband reference (transcript-rebuilt; emitter-appended) ---
"""Pipeline reference for scband-local-encoder-36395552866573 (READ-ONLY COPY).

The authoritative reference and input builder live on the scoring server;
editing this copy changes nothing except your own understanding.
"""

import jax, jax.numpy as jnp
import numpy as np

N = 50000
E = 800000
NODE_DIM = 2
EDGE_DIM = 2
EMBED = 64
HEADS = 8
HEAD_DIM = EMBED // HEADS
HIST = 20


def _mk(key, shape, scale=0.02):
    return jax.random.normal(key, shape, dtype=jnp.float32) * scale


def _ln(x, g, b, eps=1e-5):
    m = x.mean(-1, keepdims=True)
    v = ((x - m) ** 2).mean(-1, keepdims=True)
    return (x - m) / jnp.sqrt(v + eps) * g + b


def _lin(x, w, b):
    return x @ w + b


def _single_embed(x, p):
    h = jax.nn.relu(_ln(_lin(x, p['w1'], p['b1']), p['g1'], p['be1']))
    h = jax.nn.relu(_ln(_lin(h, p['w2'], p['b2']), p['g2'], p['be2']))
    return _ln(_lin(h, p['w3'], p['b3']), p['g3'], p['be3'])


def _multi_embed(inputs, p):
    s = 0.0
    for i, xi in enumerate(inputs):
        b = p['branch%d' % i]
        h = jax.nn.relu(_ln(_lin(xi, b['w1'], b['b1']), b['g1'], b['be1']))
        s = s + _lin(h, b['w2'], b['b2'])
    a = p['aggr']
    h = jax.nn.relu(_ln(s, a['g1'], a['be1']))
    return _ln(_lin(h, a['w'], a['b']), a['g2'], a['be2'])


def _forward(x, t, edge_index, edge_attr, bos_mask, params):
    # center embedding (rotate_mat=None, add_agent_feats=False path)
    center = _single_embed(x, params['center'])
    center = jnp.where(bos_mask[:, None], params['bos_token'][t], center)
    # _mha_block on norm1(center)
    ce_n = _ln(center, params['norm1']['g'], params['norm1']['b'])
    src = edge_index[0]
    dst = edge_index[1]
    nbr = _multi_embed([x[src], edge_attr], params['nbr'])
    q = _lin(ce_n[dst], params['lin_q']['w'], params['lin_q']['b']).reshape(-1, HEADS, HEAD_DIM)
    k = _lin(nbr, params['lin_k']['w'], params['lin_k']['b']).reshape(-1, HEADS, HEAD_DIM)
    v = _lin(nbr, params['lin_v']['w'], params['lin_v']['b']).reshape(-1, HEADS, HEAD_DIM)
    alpha = (q * k).sum(-1) / (HEAD_DIM ** 0.5)  # [E, H]
    # segment softmax over destination nodes (PyG softmax(alpha, index))
    amax = jax.ops.segment_max(alpha, dst, num_segments=N)
    ex = jnp.exp(alpha - amax[dst])
    denom = jax.ops.segment_sum(ex, dst, num_segments=N)
    alpha = ex / (denom[dst] + 1e-16)
    # message = value * alpha; aggr='add'
    agg = jax.ops.segment_sum(v * alpha[..., None], dst, num_segments=N).reshape(N, EMBED)
    # update(): gated fusion with center_embed (= ce_n passed into propagate)
    gate = jax.nn.sigmoid(_lin(agg, params['lin_ih']['w'], params['lin_ih']['b']) + _lin(ce_n, params['lin_hh']['w'], params['lin_hh']['b']))
    upd = agg + gate * (_lin(ce_n, params['lin_self']['w'], params['lin_self']['b']) - agg)
    center = center + _lin(upd, params['out_proj']['w'], params['out_proj']['b'])
    # _ff_block (dropout = identity in eval)
    h = _ln(center, params['norm2']['g'], params['norm2']['b'])
    h = jax.nn.relu(_lin(h, params['mlp']['w1'], params['mlp']['b1']))
    center = center + _lin(h, params['mlp']['w2'], params['mlp']['b2'])
    return center


def setup_inputs(seed: int = 0):
    key = jax.random.key(seed)
    ks = iter(jax.random.split(key, 64))
    def nk():
        return next(ks)
    def z():
        return jnp.zeros((EMBED,), jnp.float32)
    def o():
        return jnp.ones((EMBED,), jnp.float32)
    def lin_p(fi, fo):
        return {'w': _mk(nk(), (fi, fo)), 'b': jnp.zeros((fo,), jnp.float32)}
    def single_p(fi):
        return {'w1': _mk(nk(), (fi, EMBED)), 'b1': z(), 'g1': o(), 'be1': z(),
                'w2': _mk(nk(), (EMBED, EMBED)), 'b2': z(), 'g2': o(), 'be2': z(),
                'w3': _mk(nk(), (EMBED, EMBED)), 'b3': z(), 'g3': o(), 'be3': z()}
    def branch_p(fi):
        return {'w1': _mk(nk(), (fi, EMBED)), 'b1': z(), 'g1': o(), 'be1': z(),
                'w2': _mk(nk(), (EMBED, EMBED)), 'b2': z()}
    params = {
        'center': single_p(NODE_DIM),
        'nbr': {'branch0': branch_p(NODE_DIM), 'branch1': branch_p(EDGE_DIM),
                'aggr': {'g1': o(), 'be1': z(), 'w': _mk(nk(), (EMBED, EMBED)), 'b': z(), 'g2': o(), 'be2': z()}},
        'lin_q': lin_p(EMBED, EMBED), 'lin_k': lin_p(EMBED, EMBED), 'lin_v': lin_p(EMBED, EMBED),
        'lin_self': lin_p(EMBED, EMBED), 'lin_ih': lin_p(EMBED, EMBED), 'lin_hh': lin_p(EMBED, EMBED),
        'out_proj': lin_p(EMBED, EMBED),
        'norm1': {'g': o(), 'b': z()},
        'norm2': {'g': o(), 'b': z()},
        'mlp': {'w1': _mk(nk(), (EMBED, EMBED * 4)), 'b1': jnp.zeros((EMBED * 4,), jnp.float32),
                'w2': _mk(nk(), (EMBED * 4, EMBED)), 'b2': z()},
        'bos_token': _mk(nk(), (HIST, EMBED)),
    }
    x = jax.random.normal(nk(), (N, NODE_DIM), dtype=jnp.float32)
    edge_index = jax.random.randint(nk(), (2, E), 0, N, dtype=jnp.int32)
    edge_attr = jax.random.normal(nk(), (E, EDGE_DIM), dtype=jnp.float32)
    bos_mask = jnp.zeros((N,), dtype=bool)
    return {'x': x, 't': 1, 'edge_index': edge_index, 'edge_attr': edge_attr, 'bos_mask': bos_mask, 'params': params}


def reference(x, t, edge_index, edge_attr, bos_mask, params):
    return _forward(x, t, edge_index, edge_attr, bos_mask, params)

if __name__ == "__main__":
    import jax
    _d = setup_inputs()
    print(jax.jit(kernel)(*tuple(_d.values())))

</pallas_src>

<mosaic_0001>
#map = affine_map<(d0, d1) -> (0, 0)>
#map1 = affine_map<(d0, d1) -> (0)>
module attributes {stable_mosaic.version = 14 : i64} {
  func.func @k(%arg0: i32, %arg1: i32, %arg2: memref<50000x128xf32, #tpu.memory_space<hbm>>, %arg3: memref<800000xi32, #tpu.memory_space<hbm>>, %arg4: memref<800000xi32, #tpu.memory_space<hbm>>, %arg5: memref<800000x128xf32, #tpu.memory_space<hbm>>, %arg6: memref<800000x128xf32, #tpu.memory_space<hbm>>, %arg7: memref<200xi32, #tpu.memory_space<vmem>>, %arg8: memref<200xi32, #tpu.memory_space<vmem>>, %arg9: memref<200x128xf32, #tpu.memory_space<vmem>>, %arg10: memref<200x128xf32, #tpu.memory_space<vmem>>, %arg11: memref<!tpu.dma_semaphore, #tpu.memory_space<semaphore_mem>>, %arg12: memref<!tpu.dma_semaphore, #tpu.memory_space<semaphore_mem>>) attributes {dimension_semantics = [#tpu.dimension_semantics<core_parallel>, #tpu.dimension_semantics<subcore_parallel>], iteration_bounds = array<i64: 2, 16>, scalar_prefetch = 0 : i64, scratch_operands = 6 : i64, tpu.core_type = #tpu.core_type<sc_vector_subcore>, window_params = [{transform_indices = #map}, {transform_indices = #map1}, {transform_indices = #map1}, {transform_indices = #map}, {transform_indices = #map}]} {
    %mul3A = arith.constant 2 : i32
    %mul3A_0 = arith.muli %arg1, %mul3A : i32
    %add3A = arith.addi %mul3A_0, %arg0 : i32
    %mul3A_1 = arith.constant 25000 : i32
    %mul3A_2 = arith.muli %add3A, %mul3A_1 : i32
    %scan3A = arith.constant 0 : i32
    %scan3A_3 = arith.constant 125 : i32
    %scan3A_4 = arith.addi %scan3A, %scan3A_3 : i32
    %scan3A_5 = arith.constant 1 : i32
    scf.for %scan3A_7 = %scan3A to %scan3A_4 step %scan3A_5  : i32 {
      %mul3A_8 = arith.constant 1 : i32
      %mul3A_9 = arith.muli %scan3A_7, %mul3A_8 : i32
      %add3A_10 = arith.constant 0 : i32
      %add3A_11 = arith.addi %add3A_10, %mul3A_9 : i32
      %mul3A_12 = arith.constant 200 : i32
      %mul3A_13 = arith.muli %add3A_11, %mul3A_12 : i32
      %add3A_14 = arith.addi %mul3A_2, %mul3A_13 : i32
      "tpu.region"() ({
        %run_scoped3A = tpu.sem_alloc : memref<!tpu.dma_semaphore, #tpu.memory_space<semaphore_mem>>
        %dma_start3A_25 = tpu.memref_slice %arg3[%add3A_14] : memref<800000xi32, #tpu.memory_space<hbm>> -> memref<200xi32, #tpu.memory_space<hbm>>
        %dma_start3A_26 = tpu.memref_slice %arg3[%add3A_14] : memref<800000xi32, #tpu.memory_space<hbm>> -> memref<200xi32, #tpu.memory_space<hbm>>
        tpu.enqueue_dma source(%dma_start3A_26 : memref<200xi32, #tpu.memory_space<hbm>>) target(%arg7 : memref<200xi32, #tpu.memory_space<vmem>>) target_semaphore(%run_scoped3A : memref<!tpu.dma_semaphore, #tpu.memory_space<semaphore_mem>>)
        %dma_wait3A_27 = tpu.memref_slice %arg3[%add3A_14] : memref<800000xi32, #tpu.memory_space<hbm>> -> memref<200xi32, #tpu.memory_space<hbm>>
        %dma_wait3A_28 = tpu.memref_slice %arg3[%add3A_14] : memref<800000xi32, #tpu.memory_space<hbm>> -> memref<200xi32, #tpu.memory_space<hbm>>
        tpu.wait_dma2 semaphore(%run_scoped3A : memref<!tpu.dma_semaphore, #tpu.memory_space<semaphore_mem>>) src(%dma_wait3A_28 : memref<200xi32, #tpu.memory_space<hbm>>) dst(%arg7 : memref<200xi32, #tpu.memory_space<vmem>>)
        tpu.yield
      }) : () -> ()
      "tpu.region"() ({
        %run_scoped3A = tpu.sem_alloc : memref<!tpu.dma_semaphore, #tpu.memory_space<semaphore_mem>>
        %dma_start3A_25 = tpu.memref_slice %arg4[%add3A_14] : memref<800000xi32, #tpu.memory_space<hbm>> -> memref<200xi32, #tpu.memory_space<hbm>>
        %dma_start3A_26 = tpu.memref_slice %arg4[%add3A_14] : memref<800000xi32, #tpu.memory_space<hbm>> -> memref<200xi32, #tpu.memory_space<hbm>>
        tpu.enqueue_dma source(%dma_start3A_26 : memref<200xi32, #tpu.memory_space<hbm>>) target(%arg8 : memref<200xi32, #tpu.memory_space<vmem>>) target_semaphore(%run_scoped3A : memref<!tpu.dma_semaphore, #tpu.memory_space<semaphore_mem>>)
        %dma_wait3A_27 = tpu.memref_slice %arg4[%add3A_14] : memref<800000xi32, #tpu.memory_space<hbm>> -> memref<200xi32, #tpu.memory_space<hbm>>
        %dma_wait3A_28 = tpu.memref_slice %arg4[%add3A_14] : memref<800000xi32, #tpu.memory_space<hbm>> -> memref<200xi32, #tpu.memory_space<hbm>>
        tpu.wait_dma2 semaphore(%run_scoped3A : memref<!tpu.dma_semaphore, #tpu.memory_space<semaphore_mem>>) src(%dma_wait3A_28 : memref<200xi32, #tpu.memory_space<hbm>>) dst(%arg8 : memref<200xi32, #tpu.memory_space<vmem>>)
        tpu.yield
      }) : () -> ()
      %dma_start3A = arith.constant 0 : i32
      %dma_start3A_15 = arith.constant 0 : i32
      %dma_start3A_16 = tpu.memref_slice %arg2[%dma_start3A, %dma_start3A_15] : memref<50000x128xf32, #tpu.memory_space<hbm>> -> memref<50000x128xf32, #tpu.memory_space<hbm>>
      tpu.enqueue_indirect_dma source(%dma_start3A_16 : memref<50000x128xf32, #tpu.memory_space<hbm>>) target(%arg9 : memref<200x128xf32, #tpu.memory_space<vmem>>) offsets(%arg7 : memref<200xi32, #tpu.memory_space<vmem>>) semaphore(%arg11 : memref<!tpu.dma_semaphore, #tpu.memory_space<semaphore_mem>>)
      %dma_start3A_17 = arith.constant 0 : i32
      %dma_start3A_18 = arith.constant 0 : i32
      %dma_start3A_19 = tpu.memref_slice %arg2[%dma_start3A_17, %dma_start3A_18] : memref<50000x128xf32, #tpu.memory_space<hbm>> -> memref<50000x128xf32, #tpu.memory_space<hbm>>
      tpu.enqueue_indirect_dma source(%dma_start3A_19 : memref<50000x128xf32, #tpu.memory_space<hbm>>) target(%arg10 : memref<200x128xf32, #tpu.memory_space<vmem>>) offsets(%arg8 : memref<200xi32, #tpu.memory_space<vmem>>) semaphore(%arg12 : memref<!tpu.dma_semaphore, #tpu.memory_space<semaphore_mem>>)
      %dma_wait3A = arith.constant 0 : i32
      %dma_wait3A_20 = arith.constant 0 : i32
      %dma_wait3A_21 = tpu.memref_slice %arg2[%dma_wait3A, %dma_wait3A_20] : memref<50000x128xf32, #tpu.memory_space<hbm>> -> memref<50000x128xf32, #tpu.memory_space<hbm>>
      tpu.wait_indirect_dma semaphore(%arg11 : memref<!tpu.dma_semaphore, #tpu.memory_space<semaphore_mem>>) src(%dma_wait3A_21 : memref<50000x128xf32, #tpu.memory_space<hbm>>) dst(%arg9 : memref<200x128xf32, #tpu.memory_space<vmem>>)
      %dma_wait3A_22 = arith.constant 0 : i32
      %dma_wait3A_23 = arith.constant 0 : i32
      %dma_wait3A_24 = tpu.memref_slice %arg2[%dma_wait3A_22, %dma_wait3A_23] : memref<50000x128xf32, #tpu.memory_space<hbm>> -> memref<50000x128xf32, #tpu.memory_space<hbm>>
      tpu.wait_indirect_dma semaphore(%arg12 : memref<!tpu.dma_semaphore, #tpu.memory_space<semaphore_mem>>) src(%dma_wait3A_24 : memref<50000x128xf32, #tpu.memory_space<hbm>>) dst(%arg10 : memref<200x128xf32, #tpu.memory_space<vmem>>)
      "tpu.region"() ({
        %run_scoped3A = tpu.sem_alloc : memref<!tpu.dma_semaphore, #tpu.memory_space<semaphore_mem>>
        %dma_start3A_25 = arith.constant 0 : i32
        %dma_start3A_26 = tpu.memref_slice %arg5[%add3A_14, %dma_start3A_25] : memref<800000x128xf32, #tpu.memory_space<hbm>> -> memref<200x128xf32, #tpu.memory_space<hbm>>
        %dma_start3A_27 = arith.constant 0 : i32
        %dma_start3A_28 = tpu.memref_slice %arg5[%add3A_14, %dma_start3A_27] : memref<800000x128xf32, #tpu.memory_space<hbm>> -> memref<200x128xf32, #tpu.memory_space<hbm>>
        tpu.enqueue_dma source(%arg9 : memref<200x128xf32, #tpu.memory_space<vmem>>) target(%dma_start3A_28 : memref<200x128xf32, #tpu.memory_space<hbm>>) target_semaphore(%run_scoped3A : memref<!tpu.dma_semaphore, #tpu.memory_space<semaphore_mem>>)
        %dma_wait3A_29 = arith.constant 0 : i32
        %dma_wait3A_30 = tpu.memref_slice %arg5[%add3A_14, %dma_wait3A_29] : memref<800000x128xf32, #tpu.memory_space<hbm>> -> memref<200x128xf32, #tpu.memory_space<hbm>>
        %dma_wait3A_31 = arith.constant 0 : i32
        %dma_wait3A_32 = tpu.memref_slice %arg5[%add3A_14, %dma_wait3A_31] : memref<800000x128xf32, #tpu.memory_space<hbm>> -> memref<200x128xf32, #tpu.memory_space<hbm>>
        tpu.wait_dma2 semaphore(%run_scoped3A : memref<!tpu.dma_semaphore, #tpu.memory_space<semaphore_mem>>) src(%arg9 : memref<200x128xf32, #tpu.memory_space<vmem>>) dst(%dma_wait3A_32 : memref<200x128xf32, #tpu.memory_space<hbm>>)
        tpu.yield
      }) : () -> ()
      "tpu.region"() ({
        %run_scoped3A = tpu.sem_alloc : memref<!tpu.dma_semaphore, #tpu.memory_space<semaphore_mem>>
        %dma_start3A_25 = arith.constant 0 : i32
        %dma_start3A_26 = tpu.memref_slice %arg6[%add3A_14, %dma_start3A_25] : memref<800000x128xf32, #tpu.memory_space<hbm>> -> memref<200x128xf32, #tpu.memory_space<hbm>>
        %dma_start3A_27 = arith.constant 0 : i32
        %dma_start3A_28 = tpu.memref_slice %arg6[%add3A_14, %dma_start3A_27] : memref<800000x128xf32, #tpu.memory_space<hbm>> -> memref<200x128xf32, #tpu.memory_space<hbm>>
        tpu.enqueue_dma source(%arg10 : memref<200x128xf32, #tpu.memory_space<vmem>>) target(%dma_start3A_28 : memref<200x128xf32, #tpu.memory_space<hbm>>) target_semaphore(%run_scoped3A : memref<!tpu.dma_semaphore, #tpu.memory_space<semaphore_mem>>)
        %dma_wait3A_29 = arith.constant 0 : i32
        %dma_wait3A_30 = tpu.memref_slice %arg6[%add3A_14, %dma_wait3A_29] : memref<800000x128xf32, #tpu.memory_space<hbm>> -> memref<200x128xf32, #tpu.memory_space<hbm>>
        %dma_wait3A_31 = arith.constant 0 : i32
        %dma_wait3A_32 = tpu.memref_slice %arg6[%add3A_14, %dma_wait3A_31] : memref<800000x128xf32, #tpu.memory_space<hbm>> -> memref<200x128xf32, #tpu.memory_space<hbm>>
        tpu.wait_dma2 semaphore(%run_scoped3A : memref<!tpu.dma_semaphore, #tpu.memory_space<semaphore_mem>>) src(%arg10 : memref<200x128xf32, #tpu.memory_space<vmem>>) dst(%dma_wait3A_32 : memref<200x128xf32, #tpu.memory_space<hbm>>)
        tpu.yield
      }) : () -> ()
    }
    %scan3A_6 = arith.constant 125 : i32
    return
  }
}

#map = affine_map<(d0, d1) -> (0, 0)>
#map1 = affine_map<(d0, d1) -> (0)>
module attributes {stable_mosaic.version = 14 : i64} {
  func.func @k(%arg0: i32, %arg1: i32, %arg2: memref<800000x128xf32, #tpu.memory_space<hbm>>, %arg3: memref<800000xi32, #tpu.memory_space<hbm>>, %arg4: memref<160x128xf32, #tpu.memory_space<hbm>>, %arg5: memref<50048x128xf32, #tpu.memory_space<hbm>>, %arg6: memref<128x128xf32, #tpu.memory_space<vmem>>, %arg7: memref<128xi32, #tpu.memory_space<vmem>>, %arg8: memref<12800x128xf32, #tpu.memory_space<vmem_shared>>, %arg9: memref<!tpu.dma_semaphore, #tpu.memory_space<semaphore_mem>>) attributes {dimension_semantics = [#tpu.dimension_semantics<core_parallel>, #tpu.dimension_semantics<subcore_parallel>], iteration_bounds = array<i64: 2, 16>, scalar_prefetch = 0 : i64, scratch_operands = 4 : i64, tpu.core_type = #tpu.core_type<sc_vector_subcore>, window_params = [{transform_indices = #map}, {transform_indices = #map1}, {transform_indices = #map}, {transform_indices = #map}]} {
    %add3A = arith.constant 12512 : i32
    %add3A_0 = arith.addi %add3A, %arg1 : i32
    %mul3A = arith.constant 50048 : i32
    %mul3A_1 = arith.muli %arg1, %mul3A : i32
    %add3A_2 = arith.constant 0 : i32
    %add3A_3 = arith.addi %add3A_2, %arg0 : i32
    %mul3A_4 = arith.constant 12512 : i32
    %mul3A_5 = arith.muli %add3A_3, %mul3A_4 : i32
    %scan3A = arith.constant 0 : i32
    %scan3A_6 = arith.constant 5 : i32
    %scan3A_7 = arith.addi %scan3A, %scan3A_6 : i32
    %scan3A_8 = arith.constant 1 : i32
    scf.for %scan3A_60 = %scan3A to %scan3A_7 step %scan3A_8  : i32 {
      %mul3A_61 = arith.constant 1 : i32
      %mul3A_62 = arith.muli %scan3A_60, %mul3A_61 : i32
      %add3A_63 = arith.constant 0 : i32
      %add3A_64 = arith.addi %add3A_63, %mul3A_62 : i32
      %mul3A_65 = arith.constant 800 : i32
      %mul3A_66 = arith.muli %arg1, %mul3A_65 : i32
      %mul3A_67 = arith.constant 160 : i32
      %mul3A_68 = arith.muli %add3A_64, %mul3A_67 : i32
      %add3A_69 = arith.addi %mul3A_66, %mul3A_68 : i32
      "tpu.region"() ({
        %run_scoped3A = tpu.sem_alloc : memref<!tpu.dma_semaphore, #tpu.memory_space<semaphore_mem>>
        %dma_start3A = arith.constant 0 : i32
        %dma_start3A_70 = tpu.memref_slice %arg8[%add3A_69, %dma_start3A] : memref<12800x128xf32, #tpu.memory_space<vmem_shared>> -> memref<160x128xf32, #tpu.memory_space<vmem_shared>>
        tpu.enqueue_dma source(%arg4 : memref<160x128xf32, #tpu.memory_space<hbm>>) target(%dma_start3A_70 : memref<160x128xf32, #tpu.memory_space<vmem_shared>>) target_semaphore(%run_scoped3A : memref<!tpu.dma_semaphore, #tpu.memory_space<semaphore_mem>>)
        %dma_wait3A = arith.constant 0 : i32
        %dma_wait3A_71 = tpu.memref_slice %arg8[%add3A_69, %dma_wait3A] : memref<12800x128xf32, #tpu.memory_space<vmem_shared>> -> memref<160x128xf32, #tpu.memory_space<vmem_shared>>
        tpu.wait_dma2 semaphore(%run_scoped3A : memref<!tpu.dma_semaphore, #tpu.memory_space<semaphore_mem>>) src(%arg4 : memref<160x128xf32, #tpu.memory_space<hbm>>) dst(%dma_wait3A_71 : memref<160x128xf32, #tpu.memory_space<vmem_shared>>)
        tpu.yield
      }) : () -> ()
    }
    %scan3A_9 = arith.constant 5 : i32
    %barrier3A = arith.constant 0 : index
    tpu.barrier barrier_id(%barrier3A)
    %lt3A = arith.constant 15 : i32
    %lt3A_10 = arith.cmpi slt, %arg1, %lt3A : i32
    %convert_element_type3A = arith.extui %lt3A_10 : i1 to i32
    %cond3A = arith.constant 0 : i32
    %cond3A_11 = arith.cmpi ne, %convert_element_type3A, %cond3A : i32
    scf.if %cond3A_11 {
      %scan3A_60 = arith.constant 0 : i32
      %scan3A_61 = arith.constant 391 : i32
      %scan3A_62 = arith.addi %scan3A_60, %scan3A_61 : i32
      %scan3A_63 = arith.constant 1 : i32
      scf.for %scan3A_65 = %scan3A_60 to %scan3A_62 step %scan3A_63  : i32 {
        %mul3A_66 = arith.constant 1 : i32
        %mul3A_67 = arith.muli %scan3A_65, %mul3A_66 : i32
        %add3A_68 = arith.constant 0 : i32
        %add3A_69 = arith.addi %add3A_68, %mul3A_67 : i32
        %mul3A_70 = arith.constant 128 : i32
        %mul3A_71 = arith.muli %add3A_69, %mul3A_70 : i32
        %add3A_72 = arith.addi %mul3A_1, %mul3A_71 : i32
        "tpu.region"() ({
          %run_scoped3A = tpu.sem_alloc : memref<!tpu.dma_semaphore, #tpu.memory_space<semaphore_mem>>
          %dma_start3A = tpu.memref_slice %arg3[%add3A_72] : memref<800000xi32, #tpu.memory_space<hbm>> -> memref<128xi32, #tpu.memory_space<hbm>>
          %dma_start3A_78 = tpu.memref_slice %arg3[%add3A_72] : memref<800000xi32, #tpu.memory_space<hbm>> -> memref<128xi32, #tpu.memory_space<hbm>>
          tpu.enqueue_dma source(%dma_start3A_78 : memref<128xi32, #tpu.memory_space<hbm>>) target(%arg7 : memref<128xi32, #tpu.memory_space<vmem>>) target_semaphore(%run_scoped3A : memref<!tpu.dma_semaphore, #tpu.memory_space<semaphore_mem>>)
          %dma_wait3A = tpu.memref_slice %arg3[%add3A_72] : memref<800000xi32, #tpu.memory_space<hbm>> -> memref<128xi32, #tpu.memory_space<hbm>>
          %dma_wait3A_79 = tpu.memref_slice %arg3[%add3A_72] : memref<800000xi32, #tpu.memory_space<hbm>> -> memref<128xi32, #tpu.memory_space<hbm>>
          tpu.wait_dma2 semaphore(%run_scoped3A : memref<!tpu.dma_semaphore, #tpu.memory_space<semaphore_mem>>) src(%dma_wait3A_79 : memref<128xi32, #tpu.memory_space<hbm>>) dst(%arg7 : memref<128xi32, #tpu.memory_space<vmem>>)
          tpu.yield
        }) : () -> ()
        "tpu.region"() ({
          %run_scoped3A = tpu.sem_alloc : memref<!tpu.dma_semaphore, #tpu.memory_space<semaphore_mem>>
          %dma_start3A = arith.constant 0 : i32
          %dma_start3A_78 = tpu.memref_slice %arg2[%add3A_72, %dma_start3A] : memref<800000x128xf32, #tpu.memory_space<hbm>> -> memref<128x128xf32, #tpu.memory_space<hbm>>
          %dma_start3A_79 = arith.constant 0 : i32
          %dma_start3A_80 = tpu.memref_slice %arg2[%add3A_72, %dma_start3A_79] : memref<800000x128xf32, #tpu.memory_space<hbm>> -> memref<128x128xf32, #tpu.memory_space<hbm>>
          tpu.enqueue_dma source(%dma_start3A_80 : memref<128x128xf32, #tpu.memory_space<hbm>>) target(%arg6 : memref<128x128xf32, #tpu.memory_space<vmem>>) target_semaphore(%run_scoped3A : memref<!tpu.dma_semaphore, #tpu.memory_space<semaphore_mem>>)
          %dma_wait3A = arith.constant 0 : i32
          %dma_wait3A_81 = tpu.memref_slice %arg2[%add3A_72, %dma_wait3A] : memref<800000x128xf32, #tpu.memory_space<hbm>> -> memref<128x128xf32, #tpu.memory_space<hbm>>
          %dma_wait3A_82 = arith.constant 0 : i32
          %dma_wait3A_83 = tpu.memref_slice %arg2[%add3A_72, %dma_wait3A_82] : memref<800000x128xf32, #tpu.memory_space<hbm>> -> memref<128x128xf32, #tpu.memory_space<hbm>>
          tpu.wait_dma2 semaphore(%run_scoped3A : memref<!tpu.dma_semaphore, #tpu.memory_space<semaphore_mem>>) src(%dma_wait3A_83 : memref<128x128xf32, #tpu.memory_space<hbm>>) dst(%arg6 : memref<128x128xf32, #tpu.memory_space<vmem>>)
          tpu.yield
        }) : () -> ()
        %scan3A_73 = arith.constant 0 : i32
        %scan3A_74 = arith.constant 8 : i32
        %scan3A_75 = arith.addi %scan3A_73, %scan3A_74 : i32
        %scan3A_76 = arith.constant 1 : i32
        scf.for %scan3A_78 = %scan3A_73 to %scan3A_75 step %scan3A_76  : i32 {
          %mul3A_79 = arith.constant 1 : i32
          %mul3A_80 = arith.muli %scan3A_78, %mul3A_79 : i32
          %add3A_81 = arith.constant 0 : i32
          %add3A_82 = arith.addi %add3A_81, %mul3A_80 : i32
          %mul3A_83 = arith.constant 16 : i32
          %mul3A_84 = arith.muli %add3A_82, %mul3A_83 : i32
          %get3A = arith.index_cast %mul3A_84 : i32 to index
          %get3A_85 = tpu.vector_load %arg7[%get3A] {strides = array<i32>} : memref<128xi32, #tpu.memory_space<vmem>>, vector<16xi32>,
          %get3A_86 = vector.shape_cast %get3A_85 : vector<16xi32> to vector<16xi32>
          %sub3A = vector.broadcast %mul3A_5 : i32 to vector<16xi32>
          %sub3A_87 = arith.subi %get3A_86, %sub3A : vector<16xi32>
          %ge3A = arith.constant 0 : i32
          %ge3A_88 = vector.broadcast %ge3A : i32 to vector<16xi32>
          %ge3A_89 = arith.cmpi sge, %sub3A_87, %ge3A_88 : vector<16xi32>
          %lt3A_90 = arith.constant 12512 : i32
          %lt3A_91 = vector.broadcast %lt3A_90 : i32 to vector<16xi32>
          %lt3A_92 = arith.cmpi slt, %sub3A_87, %lt3A_91 : vector<16xi32>
          %and3A = arith.andi %ge3A_89, %lt3A_92 : vector<16xi1>
          %broadcast_in_dim3A = vector.broadcast %add3A_0 : i32 to vector<16xi32>
          %select_n3A = arith.select %and3A, %sub3A_87, %broadcast_in_dim3A : vector<16xi1>, vector<16xi32>
          %mul3A_93 = arith.constant 16 : i32
          %mul3A_94 = arith.muli %add3A_82, %mul3A_93 : i32
          %swap3A = arith.index_cast %mul3A_94 : i32 to index
          %swap3A_95 = tpu.vector_load %arg7[%swap3A] {strides = array<i32>} : memref<128xi32, #tpu.memory_space<vmem>>, vector<16xi32>,
          %swap3A_96 = vector.shape_cast %swap3A_95 : vector<16xi32> to vector<16xi32>
          %swap3A_97 = vector.shape_cast %select_n3A : vector<16xi32> to vector<16xi32>
          tpu.vector_store %arg7[%swap3A], %swap3A_97 {strides = array<i32>} : memref<128xi32, #tpu.memory_space<vmem>>, vector<16xi32>,
        }
        %scan3A_77 = arith.constant 8 : i32
        "tpu.region"() ({
          %run_scoped3A = tpu.sem_alloc : memref<!tpu.dma_semaphore, #tpu.memory_space<semaphore_mem>>
          %dma_start3A = arith.constant 0 : i32
          %dma_start3A_78 = arith.constant 0 : i32
          %dma_start3A_79 = tpu.memref_slice %arg8[%dma_start3A, %dma_start3A_78] : memref<12800x128xf32, #tpu.memory_space<vmem_shared>> -> memref<12800x128xf32, #tpu.memory_space<vmem_shared>>
          tpu.enqueue_indirect_dma source(%arg6 : memref<128x128xf32, #tpu.memory_space<vmem>>) target(%dma_start3A_79 : memref<12800x128xf32, #tpu.memory_space<vmem_shared>>) offsets(%arg7 : memref<128xi32, #tpu.memory_space<vmem>>) semaphore(%run_scoped3A : memref<!tpu.dma_semaphore, #tpu.memory_space<semaphore_mem>>) {add = true}
          %dma_wait3A = arith.constant 0 : i32
          %dma_wait3A_80 = arith.constant 0 : i32
          %dma_wait3A_81 = tpu.memref_slice %arg8[%dma_wait3A, %dma_wait3A_80] : memref<12800x128xf32, #tpu.memory_space<vmem_shared>> -> memref<12800x128xf32, #tpu.memory_space<vmem_shared>>
          tpu.wait_indirect_dma semaphore(%run_scoped3A : memref<!tpu.dma_semaphore, #tpu.memory_space<semaphore_mem>>) src(%arg6 : memref<128x128xf32, #tpu.memory_space<vmem>>) dst(%dma_wait3A_81 : memref<12800x128xf32, #tpu.memory_space<vmem_shared>>)
          tpu.yield
        }) : () -> ()
      }
      %scan3A_64 = arith.constant 391 : i32
    } else {
    }
    %eq3A = arith.constant 15 : i32
    %eq3A_12 = arith.cmpi eq, %arg1, %eq3A : i32
    %convert_element_type3A_13 = arith.extui %eq3A_12 : i1 to i32
    %cond3A_14 = arith.constant 0 : i32
    %cond3A_15 = arith.cmpi ne, %convert_element_type3A_13, %cond3A_14 : i32
    scf.if %cond3A_15 {
      %scan3A_60 = arith.constant 0 : i32
      %scan3A_61 = arith.constant 385 : i32
      %scan3A_62 = arith.addi %scan3A_60, %scan3A_61 : i32
      %scan3A_63 = arith.constant 1 : i32
      scf.for %scan3A_65 = %scan3A_60 to %scan3A_62 step %scan3A_63  : i32 {
        %mul3A_66 = arith.constant 1 : i32
        %mul3A_67 = arith.muli %scan3A_65, %mul3A_66 : i32
        %add3A_68 = arith.constant 0 : i32
        %add3A_69 = arith.addi %add3A_68, %mul3A_67 : i32
        %mul3A_70 = arith.constant 128 : i32
        %mul3A_71 = arith.muli %add3A_69, %mul3A_70 : i32
        %add3A_72 = arith.addi %mul3A_1, %mul3A_71 : i32
        "tpu.region"() ({
          %run_scoped3A = tpu.sem_alloc : memref<!tpu.dma_semaphore, #tpu.memory_space<semaphore_mem>>
          %dma_start3A = tpu.memref_slice %arg3[%add3A_72] : memref<800000xi32, #tpu.memory_space<hbm>> -> memref<128xi32, #tpu.memory_space<hbm>>
          %dma_start3A_78 = tpu.memref_slice %arg3[%add3A_72] : memref<800000xi32, #tpu.memory_space<hbm>> -> memref<128xi32, #tpu.memory_space<hbm>>
          tpu.enqueue_dma source(%dma_start3A_78 : memref<128xi32, #tpu.memory_space<hbm>>) target(%arg7 : memref<128xi32, #tpu.memory_space<vmem>>) target_semaphore(%run_scoped3A : memref<!tpu.dma_semaphore, #tpu.memory_space<semaphore_mem>>)
          %dma_wait3A = tpu.memref_slice %arg3[%add3A_72] : memref<800000xi32, #tpu.memory_space<hbm>> -> memref<128xi32, #tpu.memory_space<hbm>>
          %dma_wait3A_79 = tpu.memref_slice %arg3[%add3A_72] : memref<800000xi32, #tpu.memory_space<hbm>> -> memref<128xi32, #tpu.memory_space<hbm>>
          tpu.wait_dma2 semaphore(%run_scoped3A : memref<!tpu.dma_semaphore, #tpu.memory_space<semaphore_mem>>) src(%dma_wait3A_79 : memref<128xi32, #tpu.memory_space<hbm>>) dst(%arg7 : memref<128xi32, #tpu.memory_space<vmem>>)
          tpu.yield
        }) : () -> ()
        "tpu.region"() ({
          %run_scoped3A = tpu.sem_alloc : memref<!tpu.dma_semaphore, #tpu.memory_space<semaphore_mem>>
          %dma_start3A = arith.constant 0 : i32
          %dma_start3A_78 = tpu.memref_slice %arg2[%add3A_72, %dma_start3A] : memref<800000x128xf32, #tpu.memory_space<hbm>> -> memref<128x128xf32, #tpu.memory_space<hbm>>
          %dma_start3A_79 = arith.constant 0 : i32
          %dma_start3A_80 = tpu.memref_slice %arg2[%add3A_72, %dma_start3A_79] : memref<800000x128xf32, #tpu.memory_space<hbm>> -> memref<128x128xf32, #tpu.memory_space<hbm>>
          tpu.enqueue_dma source(%dma_start3A_80 : memref<128x128xf32, #tpu.memory_space<hbm>>) target(%arg6 : memref<128x128xf32, #tpu.memory_space<vmem>>) target_semaphore(%run_scoped3A : memref<!tpu.dma_semaphore, #tpu.memory_space<semaphore_mem>>)
          %dma_wait3A = arith.constant 0 : i32
          %dma_wait3A_81 = tpu.memref_slice %arg2[%add3A_72, %dma_wait3A] : memref<800000x128xf32, #tpu.memory_space<hbm>> -> memref<128x128xf32, #tpu.memory_space<hbm>>
          %dma_wait3A_82 = arith.constant 0 : i32
          %dma_wait3A_83 = tpu.memref_slice %arg2[%add3A_72, %dma_wait3A_82] : memref<800000x128xf32, #tpu.memory_space<hbm>> -> memref<128x128xf32, #tpu.memory_space<hbm>>
          tpu.wait_dma2 semaphore(%run_scoped3A : memref<!tpu.dma_semaphore, #tpu.memory_space<semaphore_mem>>) src(%dma_wait3A_83 : memref<128x128xf32, #tpu.memory_space<hbm>>) dst(%arg6 : memref<128x128xf32, #tpu.memory_space<vmem>>)
          tpu.yield
        }) : () -> ()
        %scan3A_73 = arith.constant 0 : i32
        %scan3A_74 = arith.constant 8 : i32
        %scan3A_75 = arith.addi %scan3A_73, %scan3A_74 : i32
        %scan3A_76 = arith.constant 1 : i32
        scf.for %scan3A_78 = %scan3A_73 to %scan3A_75 step %scan3A_76  : i32 {
          %mul3A_79 = arith.constant 1 : i32
          %mul3A_80 = arith.muli %scan3A_78, %mul3A_79 : i32
          %add3A_81 = arith.constant 0 : i32
          %add3A_82 = arith.addi %add3A_81, %mul3A_80 : i32
          %mul3A_83 = arith.constant 16 : i32
          %mul3A_84 = arith.muli %add3A_82, %mul3A_83 : i32
          %get3A = arith.index_cast %mul3A_84 : i32 to index
          %get3A_85 = tpu.vector_load %arg7[%get3A] {strides = array<i32>} : memref<128xi32, #tpu.memory_space<vmem>>, vector<16xi32>,
          %get3A_86 = vector.shape_cast %get3A_85 : vector<16xi32> to vector<16xi32>
          %sub3A = vector.broadcast %mul3A_5 : i32 to vector<16xi32>
          %sub3A_87 = arith.subi %get3A_86, %sub3A : vector<16xi32>
          %ge3A = arith.constant 0 : i32
          %ge3A_88 = vector.broadcast %ge3A : i32 to vector<16xi32>
          %ge3A_89 = arith.cmpi sge, %sub3A_87, %ge3A_88 : vector<16xi32>
          %lt3A_90 = arith.constant 12512 : i32
          %lt3A_91 = vector.broadcast %lt3A_90 : i32 to vector<16xi32>
          %lt3A_92 = arith.cmpi slt, %sub3A_87, %lt3A_91 : vector<16xi32>
          %and3A = arith.andi %ge3A_89, %lt3A_92 : vector<16xi1>
          %broadcast_in_dim3A = vector.broadcast %add3A_0 : i32 to vector<16xi32>
          %select_n3A = arith.select %and3A, %sub3A_87, %broadcast_in_dim3A : vector<16xi1>, vector<16xi32>
          %mul3A_93 = arith.constant 16 : i32
          %mul3A_94 = arith.muli %add3A_82, %mul3A_93 : i32
          %swap3A = arith.index_cast %mul3A_94 : i32 to index
          %swap3A_95 = tpu.vector_load %arg7[%swap3A] {strides = array<i32>} : memref<128xi32, #tpu.memory_space<vmem>>, vector<16xi32>,
          %swap3A_96 = vector.shape_cast %swap3A_95 : vector<16xi32> to vector<16xi32>
          %swap3A_97 = vector.shape_cast %select_n3A : vector<16xi32> to vector<16xi32>
          tpu.vector_store %arg7[%swap3A], %swap3A_97 {strides = array<i32>} : memref<128xi32, #tpu.memory_space<vmem>>, vector<16xi32>,
        }
        %scan3A_77 = arith.constant 8 : i32
        "tpu.region"() ({
          %run_scoped3A = tpu.sem_alloc : memref<!tpu.dma_semaphore, #tpu.memory_space<semaphore_mem>>
          %dma_start3A = arith.constant 0 : i32
          %dma_start3A_78 = arith.constant 0 : i32
          %dma_start3A_79 = tpu.memref_slice %arg8[%dma_start3A, %dma_start3A_78] : memref<12800x128xf32, #tpu.memory_space<vmem_shared>> -> memref<12800x128xf32, #tpu.memory_space<vmem_shared>>
          tpu.enqueue_indirect_dma source(%arg6 : memref<128x128xf32, #tpu.memory_space<vmem>>) target(%dma_start3A_79 : memref<12800x128xf32, #tpu.memory_space<vmem_shared>>) offsets(%arg7 : memref<128xi32, #tpu.memory_space<vmem>>) semaphore(%run_scoped3A : memref<!tpu.dma_semaphore, #tpu.memory_space<semaphore_mem>>) {add = true}
          %dma_wait3A = arith.constant 0 : i32
          %dma_wait3A_80 = arith.constant 0 : i32
          %dma_wait3A_81 = tpu.memref_slice %arg8[%dma_wait3A, %dma_wait3A_80] : memref<12800x128xf32, #tpu.memory_space<vmem_shared>> -> memref<12800x128xf32, #tpu.memory_space<vmem_shared>>
          tpu.wait_indirect_dma semaphore(%run_scoped3A : memref<!tpu.dma_semaphore, #tpu.memory_space<semaphore_mem>>) src(%arg6 : memref<128x128xf32, #tpu.memory_space<vmem>>) dst(%dma_wait3A_81 : memref<12800x128xf32, #tpu.memory_space<vmem_shared>>)
          tpu.yield
        }) : () -> ()
      }
      %scan3A_64 = arith.constant 385 : i32
    } else {
    }
    %barrier3A_16 = arith.constant 0 : index
    tpu.barrier barrier_id(%barrier3A_16)
    %lt3A_17 = arith.constant 15 : i32
    %lt3A_18 = arith.cmpi slt, %arg1, %lt3A_17 : i32
    %convert_element_type3A_19 = arith.extui %lt3A_18 : i1 to i32
    %cond3A_20 = arith.constant 0 : i32
    %cond3A_21 = arith.cmpi ne, %convert_element_type3A_19, %cond3A_20 : i32
    scf.if %cond3A_21 {
      %mul3A_60 = arith.constant 784 : i32
      %mul3A_61 = arith.muli %arg1, %mul3A_60 : i32
      %mul3A_62 = arith.constant 784 : i32
      %mul3A_63 = arith.muli %arg1, %mul3A_62 : i32
      %add3A_64 = arith.addi %mul3A_5, %mul3A_63 : i32
      "tpu.region"() ({
        %run_scoped3A = tpu.sem_alloc : memref<!tpu.dma_semaphore, #tpu.memory_space<semaphore_mem>>
        %dma_start3A = arith.constant 0 : i32
        %dma_start3A_65 = tpu.memref_slice %arg5[%add3A_64, %dma_start3A] : memref<50048x128xf32, #tpu.memory_space<hbm>> -> memref<784x128xf32, #tpu.memory_space<hbm>>
        %dma_start3A_66 = arith.constant 0 : i32
        %dma_start3A_67 = tpu.memref_slice %arg8[%mul3A_61, %dma_start3A_66] : memref<12800x128xf32, #tpu.memory_space<vmem_shared>> -> memref<784x128xf32, #tpu.memory_space<vmem_shared>>
        tpu.enqueue_dma source(%dma_start3A_67 : memref<784x128xf32, #tpu.memory_space<vmem_shared>>) target(%dma_start3A_65 : memref<784x128xf32, #tpu.memory_space<hbm>>) target_semaphore(%run_scoped3A : memref<!tpu.dma_semaphore, #tpu.memory_space<semaphore_mem>>)
        %dma_wait3A = arith.constant 0 : i32
        %dma_wait3A_68 = tpu.memref_slice %arg5[%add3A_64, %dma_wait3A] : memref<50048x128xf32, #tpu.memory_space<hbm>> -> memref<784x128xf32, #tpu.memory_space<hbm>>
        %dma_wait3A_69 = arith.constant 0 : i32
        %dma_wait3A_70 = tpu.memref_slice %arg8[%mul3A_61, %dma_wait3A_69] : memref<12800x128xf32, #tpu.memory_space<vmem_shared>> -> memref<784x128xf32, #tpu.memory_space<vmem_shared>>
        tpu.wait_dma2 semaphore(%run_scoped3A : memref<!tpu.dma_semaphore, #tpu.memory_space<semaphore_mem>>) src(%dma_wait3A_70 : memref<784x128xf32, #tpu.memory_space<vmem_shared>>) dst(%dma_wait3A_68 : memref<784x128xf32, #tpu.memory_space<hbm>>)
        tpu.yield
      }) : () -> ()
    } else {
    }
    %eq3A_22 = arith.constant 15 : i32
    %eq3A_23 = arith.cmpi eq, %arg1, %eq3A_22 : i32
    %convert_element_type3A_24 = arith.extui %eq3A_23 : i1 to i32
    %cond3A_25 = arith.constant 0 : i32
    %cond3A_26 = arith.cmpi ne, %convert_element_type3A_24, %cond3A_25 : i32
    scf.if %cond3A_26 {
      %add3A_60 = arith.constant 11760 : i32
      %add3A_61 = arith.addi %mul3A_5, %add3A_60 : i32
      "tpu.region"() ({
        %run_scoped3A = tpu.sem_alloc : memref<!tpu.dma_semaphore, #tpu.memory_space<semaphore_mem>>
        %dma_start3A = arith.constant 0 : i32
        %dma_start3A_62 = tpu.memref_slice %arg5[%add3A_61, %dma_start3A] : memref<50048x128xf32, #tpu.memory_space<hbm>> -> memref<752x128xf32, #tpu.memory_space<hbm>>
        %dma_start3A_63 = arith.constant 11760 : i32
        %dma_start3A_64 = arith.constant 0 : i32
        %dma_start3A_65 = tpu.memref_slice %arg8[%dma_start3A_63, %dma_start3A_64] : memref<12800x128xf32, #tpu.memory_space<vmem_shared>> -> memref<752x128xf32, #tpu.memory_space<vmem_shared>>
        tpu.enqueue_dma source(%dma_start3A_65 : memref<752x128xf32, #tpu.memory_space<vmem_shared>>) target(%dma_start3A_62 : memref<752x128xf32, #tpu.memory_space<hbm>>) target_semaphore(%run_scoped3A : memref<!tpu.dma_semaphore, #tpu.memory_space<semaphore_mem>>)
        %dma_wait3A = arith.constant 0 : i32
        %dma_wait3A_66 = tpu.memref_slice %arg5[%add3A_61, %dma_wait3A] : memref<50048x128xf32, #tpu.memory_space<hbm>> -> memref<752x128xf32, #tpu.memory_space<hbm>>
        %dma_wait3A_67 = arith.constant 11760 : i32
        %dma_wait3A_68 = arith.constant 0 : i32
        %dma_wait3A_69 = tpu.memref_slice %arg8[%dma_wait3A_67, %dma_wait3A_68] : memref<12800x128xf32, #tpu.memory_space<vmem_shared>> -> memref<752x128xf32, #tpu.memory_space<vmem_shared>>
        tpu.wait_dma2 semaphore(%run_scoped3A : memref<!tpu.dma_semaphore, #tpu.memory_space<semaphore_mem>>) src(%dma_wait3A_69 : memref<752x128xf32, #tpu.memory_space<vmem_shared>>) dst(%dma_wait3A_66 : memref<752x128xf32, #tpu.memory_space<hbm>>)
        tpu.yield
      }) : () -> ()
    } else {
    }
    %barrier3A_27 = arith.constant 0 : index
    tpu.barrier barrier_id(%barrier3A_27)
    %add3A_28 = arith.constant 2 : i32
    %add3A_29 = arith.addi %add3A_28, %arg0 : i32
    %mul3A_30 = arith.constant 12512 : i32
    %mul3A_31 = arith.muli %add3A_29, %mul3A_30 : i32
    %scan3A_32 = arith.constant 0 : i32
    %scan3A_33 = arith.constant 5 : i32
    %scan3A_34 = arith.addi %scan3A_32, %scan3A_33 : i32
    %scan3A_35 = arith.constant 1 : i32
    scf.for %scan3A_60 = %scan3A_32 to %scan3A_34 step %scan3A_35  : i32 {
      %mul3A_61 = arith.constant 1 : i32
      %mul3A_62 = arith.muli %scan3A_60, %mul3A_61 : i32
      %add3A_63 = arith.constant 0 : i32
      %add3A_64 = arith.addi %add3A_63, %mul3A_62 : i32
      %mul3A_65 = arith.constant 800 : i32
      %mul3A_66 = arith.muli %arg1, %mul3A_65 : i32
      %mul3A_67 = arith.constant 160 : i32
      %mul3A_68 = arith.muli %add3A_64, %mul3A_67 : i32
      %add3A_69 = arith.addi %mul3A_66, %mul3A_68 : i32
      "tpu.region"() ({
        %run_scoped3A = tpu.sem_alloc : memref<!tpu.dma_semaphore, #tpu.memory_space<semaphore_mem>>
        %dma_start3A = arith.constant 0 : i32
        %dma_start3A_70 = tpu.memref_slice %arg8[%add3A_69, %dma_start3A] : memref<12800x128xf32, #tpu.memory_space<vmem_shared>> -> memref<160x128xf32, #tpu.memory_space<vmem_shared>>
        tpu.enqueue_dma source(%arg4 : memref<160x128xf32, #tpu.memory_space<hbm>>) target(%dma_start3A_70 : memref<160x128xf32, #tpu.memory_space<vmem_shared>>) target_semaphore(%run_scoped3A : memref<!tpu.dma_semaphore, #tpu.memory_space<semaphore_mem>>)
        %dma_wait3A = arith.constant 0 : i32
        %dma_wait3A_71 = tpu.memref_slice %arg8[%add3A_69, %dma_wait3A] : memref<12800x128xf32, #tpu.memory_space<vmem_shared>> -> memref<160x128xf32, #tpu.memory_space<vmem_shared>>
        tpu.wait_dma2 semaphore(%run_scoped3A : memref<!tpu.dma_semaphore, #tpu.memory_space<semaphore_mem>>) src(%arg4 : memref<160x128xf32, #tpu.memory_space<hbm>>) dst(%dma_wait3A_71 : memref<160x128xf32, #tpu.memory_space<vmem_shared>>)
        tpu.yield
      }) : () -> ()
    }
    %scan3A_36 = arith.constant 5 : i32
    %barrier3A_37 = arith.constant 0 : index
    tpu.barrier barrier_id(%barrier3A_37)
    %lt3A_38 = arith.constant 15 : i32
    %lt3A_39 = arith.cmpi slt, %arg1, %lt3A_38 : i32
    %convert_element_type3A_40 = arith.extui %lt3A_39 : i1 to i32
    %cond3A_41 = arith.constant 0 : i32
    %cond3A_42 = arith.cmpi ne, %convert_element_type3A_40, %cond3A_41 : i32
    scf.if %cond3A_42 {
      %scan3A_60 = arith.constant 0 : i32
      %scan3A_61 = arith.constant 391 : i32
      %scan3A_62 = arith.addi %scan3A_60, %scan3A_61 : i32
      %scan3A_63 = arith.constant 1 : i32
      scf.for %scan3A_65 = %scan3A_60 to %scan3A_62 step %scan3A_63  : i32 {
        %mul3A_66 = arith.constant 1 : i32
        %mul3A_67 = arith.muli %scan3A_65, %mul3A_66 : i32
        %add3A_68 = arith.constant 0 : i32
        %add3A_69 = arith.addi %add3A_68, %mul3A_67 : i32
        %mul3A_70 = arith.constant 128 : i32
        %mul3A_71 = arith.muli %add3A_69, %mul3A_70 : i32
        %add3A_72 = arith.addi %mul3A_1, %mul3A_71 : i32
        "tpu.region"() ({
          %run_scoped3A = tpu.sem_alloc : memref<!tpu.dma_semaphore, #tpu.memory_space<semaphore_mem>>
          %dma_start3A = tpu.memref_slice %arg3[%add3A_72] : memref<800000xi32, #tpu.memory_space<hbm>> -> memref<128xi32, #tpu.memory_space<hbm>>
          %dma_start3A_78 = tpu.memref_slice %arg3[%add3A_72] : memref<800000xi32, #tpu.memory_space<hbm>> -> memref<128xi32, #tpu.memory_space<hbm>>
          tpu.enqueue_dma source(%dma_start3A_78 : memref<128xi32, #tpu.memory_space<hbm>>) target(%arg7 : memref<128xi32, #tpu.memory_space<vmem>>) target_semaphore(%run_scoped3A : memref<!tpu.dma_semaphore, #tpu.memory_space<semaphore_mem>>)
          %dma_wait3A = tpu.memref_slice %arg3[%add3A_72] : memref<800000xi32, #tpu.memory_space<hbm>> -> memref<128xi32, #tpu.memory_space<hbm>>
          %dma_wait3A_79 = tpu.memref_slice %arg3[%add3A_72] : memref<800000xi32, #tpu.memory_space<hbm>> -> memref<128xi32, #tpu.memory_space<hbm>>
          tpu.wait_dma2 semaphore(%run_scoped3A : memref<!tpu.dma_semaphore, #tpu.memory_space<semaphore_mem>>) src(%dma_wait3A_79 : memref<128xi32, #tpu.memory_space<hbm>>) dst(%arg7 : memref<128xi32, #tpu.memory_space<vmem>>)
          tpu.yield
        }) : () -> ()
        "tpu.region"() ({
          %run_scoped3A = tpu.sem_alloc : memref<!tpu.dma_semaphore, #tpu.memory_space<semaphore_mem>>
          %dma_start3A = arith.constant 0 : i32
          %dma_start3A_78 = tpu.memref_slice %arg2[%add3A_72, %dma_start3A] : memref<800000x128xf32, #tpu.memory_space<hbm>> -> memref<128x128xf32, #tpu.memory_space<hbm>>
          %dma_start3A_79 = arith.constant 0 : i32
          %dma_start3A_80 = tpu.memref_slice %arg2[%add3A_72, %dma_start3A_79] : memref<800000x128xf32, #tpu.memory_space<hbm>> -> memref<128x128xf32, #tpu.memory_space<hbm>>
          tpu.enqueue_dma source(%dma_start3A_80 : memref<128x128xf32, #tpu.memory_space<hbm>>) target(%arg6 : memref<128x128xf32, #tpu.memory_space<vmem>>) target_semaphore(%run_scoped3A : memref<!tpu.dma_semaphore, #tpu.memory_space<semaphore_mem>>)
          %dma_wait3A = arith.constant 0 : i32
          %dma_wait3A_81 = tpu.memref_slice %arg2[%add3A_72, %dma_wait3A] : memref<800000x128xf32, #tpu.memory_space<hbm>> -> memref<128x128xf32, #tpu.memory_space<hbm>>
          %dma_wait3A_82 = arith.constant 0 : i32
          %dma_wait3A_83 = tpu.memref_slice %arg2[%add3A_72, %dma_wait3A_82] : memref<800000x128xf32, #tpu.memory_space<hbm>> -> memref<128x128xf32, #tpu.memory_space<hbm>>
          tpu.wait_dma2 semaphore(%run_scoped3A : memref<!tpu.dma_semaphore, #tpu.memory_space<semaphore_mem>>) src(%dma_wait3A_83 : memref<128x128xf32, #tpu.memory_space<hbm>>) dst(%arg6 : memref<128x128xf32, #tpu.memory_space<vmem>>)
          tpu.yield
        }) : () -> ()
        %scan3A_73 = arith.constant 0 : i32
        %scan3A_74 = arith.constant 8 : i32
        %scan3A_75 = arith.addi %scan3A_73, %scan3A_74 : i32
        %scan3A_76 = arith.constant 1 : i32
        scf.for %scan3A_78 = %scan3A_73 to %scan3A_75 step %scan3A_76  : i32 {
          %mul3A_79 = arith.constant 1 : i32
          %mul3A_80 = arith.muli %scan3A_78, %mul3A_79 : i32
          %add3A_81 = arith.constant 0 : i32
          %add3A_82 = arith.addi %add3A_81, %mul3A_80 : i32
          %mul3A_83 = arith.constant 16 : i32
          %mul3A_84 = arith.muli %add3A_82, %mul3A_83 : i32
          %get3A = arith.index_cast %mul3A_84 : i32 to index
          %get3A_85 = tpu.vector_load %arg7[%get3A] {strides = array<i32>} : memref<128xi32, #tpu.memory_space<vmem>>, vector<16xi32>,
          %get3A_86 = vector.shape_cast %get3A_85 : vector<16xi32> to vector<16xi32>
          %sub3A = vector.broadcast %mul3A_31 : i32 to vector<16xi32>
          %sub3A_87 = arith.subi %get3A_86, %sub3A : vector<16xi32>
          %ge3A = arith.constant 0 : i32
          %ge3A_88 = vector.broadcast %ge3A : i32 to vector<16xi32>
          %ge3A_89 = arith.cmpi sge, %sub3A_87, %ge3A_88 : vector<16xi32>
          %lt3A_90 = arith.constant 12512 : i32
          %lt3A_91 = vector.broadcast %lt3A_90 : i32 to vector<16xi32>
          %lt3A_92 = arith.cmpi slt, %sub3A_87, %lt3A_91 : vector<16xi32>
          %and3A = arith.andi %ge3A_89, %lt3A_92 : vector<16xi1>
          %broadcast_in_dim3A = vector.broadcast %add3A_0 : i32 to vector<16xi32>
          %select_n3A = arith.select %and3A, %sub3A_87, %broadcast_in_dim3A : vector<16xi1>, vector<16xi32>
          %mul3A_93 = arith.constant 16 : i32
          %mul3A_94 = arith.muli %add3A_82, %mul3A_93 : i32
          %swap3A = arith.index_cast %mul3A_94 : i32 to index
          %swap3A_95 = tpu.vector_load %arg7[%swap3A] {strides = array<i32>} : memref<128xi32, #tpu.memory_space<vmem>>, vector<16xi32>,
          %swap3A_96 = vector.shape_cast %swap3A_95 : vector<16xi32> to vector<16xi32>
          %swap3A_97 = vector.shape_cast %select_n3A : vector<16xi32> to vector<16xi32>
          tpu.vector_store %arg7[%swap3A], %swap3A_97 {strides = array<i32>} : memref<128xi32, #tpu.memory_space<vmem>>, vector<16xi32>,
        }
        %scan3A_77 = arith.constant 8 : i32
        "tpu.region"() ({
          %run_scoped3A = tpu.sem_alloc : memref<!tpu.dma_semaphore, #tpu.memory_space<semaphore_mem>>
          %dma_start3A = arith.constant 0 : i32
          %dma_start3A_78 = arith.constant 0 : i32
          %dma_start3A_79 = tpu.memref_slice %arg8[%dma_start3A, %dma_start3A_78] : memref<12800x128xf32, #tpu.memory_space<vmem_shared>> -> memref<12800x128xf32, #tpu.memory_space<vmem_shared>>
          tpu.enqueue_indirect_dma source(%arg6 : memref<128x128xf32, #tpu.memory_space<vmem>>) target(%dma_start3A_79 : memref<12800x128xf32, #tpu.memory_space<vmem_shared>>) offsets(%arg7 : memref<128xi32, #tpu.memory_space<vmem>>) semaphore(%run_scoped3A : memref<!tpu.dma_semaphore, #tpu.memory_space<semaphore_mem>>) {add = true}
          %dma_wait3A = arith.constant 0 : i32
          %dma_wait3A_80 = arith.constant 0 : i32
          %dma_wait3A_81 = tpu.memref_slice %arg8[%dma_wait3A, %dma_wait3A_80] : memref<12800x128xf32, #tpu.memory_space<vmem_shared>> -> memref<12800x128xf32, #tpu.memory_space<vmem_shared>>
          tpu.wait_indirect_dma semaphore(%run_scoped3A : memref<!tpu.dma_semaphore, #tpu.memory_space<semaphore_mem>>) src(%arg6 : memref<128x128xf32, #tpu.memory_space<vmem>>) dst(%dma_wait3A_81 : memref<12800x128xf32, #tpu.memory_space<vmem_shared>>)
          tpu.yield
        }) : () -> ()
      }
      %scan3A_64 = arith.constant 391 : i32
    } else {
    }
    %eq3A_43 = arith.constant 15 : i32
    %eq3A_44 = arith.cmpi eq, %arg1, %eq3A_43 : i32
    %convert_element_type3A_45 = arith.extui %eq3A_44 : i1 to i32
    %cond3A_46 = arith.constant 0 : i32
    %cond3A_47 = arith.cmpi ne, %convert_element_type3A_45, %cond3A_46 : i32
    scf.if %cond3A_47 {
      %scan3A_60 = arith.constant 0 : i32
      %scan3A_61 = arith.constant 385 : i32
      %scan3A_62 = arith.addi %scan3A_60, %scan3A_61 : i32
      %scan3A_63 = arith.constant 1 : i32
      scf.for %scan3A_65 = %scan3A_60 to %scan3A_62 step %scan3A_63  : i32 {
        %mul3A_66 = arith.constant 1 : i32
        %mul3A_67 = arith.muli %scan3A_65, %mul3A_66 : i32
        %add3A_68 = arith.constant 0 : i32
        %add3A_69 = arith.addi %add3A_68, %mul3A_67 : i32
        %mul3A_70 = arith.constant 128 : i32
        %mul3A_71 = arith.muli %add3A_69, %mul3A_70 : i32
        %add3A_72 = arith.addi %mul3A_1, %mul3A_71 : i32
        "tpu.region"() ({
          %run_scoped3A = tpu.sem_alloc : memref<!tpu.dma_semaphore, #tpu.memory_space<semaphore_mem>>
          %dma_start3A = tpu.memref_slice %arg3[%add3A_72] : memref<800000xi32, #tpu.memory_space<hbm>> -> memref<128xi32, #tpu.memory_space<hbm>>
          %dma_start3A_78 = tpu.memref_slice %arg3[%add3A_72] : memref<800000xi32, #tpu.memory_space<hbm>> -> memref<128xi32, #tpu.memory_space<hbm>>
          tpu.enqueue_dma source(%dma_start3A_78 : memref<128xi32, #tpu.memory_space<hbm>>) target(%arg7 : memref<128xi32, #tpu.memory_space<vmem>>) target_semaphore(%run_scoped3A : memref<!tpu.dma_semaphore, #tpu.memory_space<semaphore_mem>>)
          %dma_wait3A = tpu.memref_slice %arg3[%add3A_72] : memref<800000xi32, #tpu.memory_space<hbm>> -> memref<128xi32, #tpu.memory_space<hbm>>
          %dma_wait3A_79 = tpu.memref_slice %arg3[%add3A_72] : memref<800000xi32, #tpu.memory_space<hbm>> -> memref<128xi32, #tpu.memory_space<hbm>>
          tpu.wait_dma2 semaphore(%run_scoped3A : memref<!tpu.dma_semaphore, #tpu.memory_space<semaphore_mem>>) src(%dma_wait3A_79 : memref<128xi32, #tpu.memory_space<hbm>>) dst(%arg7 : memref<128xi32, #tpu.memory_space<vmem>>)
          tpu.yield
        }) : () -> ()
        "tpu.region"() ({
          %run_scoped3A = tpu.sem_alloc : memref<!tpu.dma_semaphore, #tpu.memory_space<semaphore_mem>>
          %dma_start3A = arith.constant 0 : i32
          %dma_start3A_78 = tpu.memref_slice %arg2[%add3A_72, %dma_start3A] : memref<800000x128xf32, #tpu.memory_space<hbm>> -> memref<128x128xf32, #tpu.memory_space<hbm>>
          %dma_start3A_79 = arith.constant 0 : i32
          %dma_start3A_80 = tpu.memref_slice %arg2[%add3A_72, %dma_start3A_79] : memref<800000x128xf32, #tpu.memory_space<hbm>> -> memref<128x128xf32, #tpu.memory_space<hbm>>
          tpu.enqueue_dma source(%dma_start3A_80 : memref<128x128xf32, #tpu.memory_space<hbm>>) target(%arg6 : memref<128x128xf32, #tpu.memory_space<vmem>>) target_semaphore(%run_scoped3A : memref<!tpu.dma_semaphore, #tpu.memory_space<semaphore_mem>>)
          %dma_wait3A = arith.constant 0 : i32
          %dma_wait3A_81 = tpu.memref_slice %arg2[%add3A_72, %dma_wait3A] : memref<800000x128xf32, #tpu.memory_space<hbm>> -> memref<128x128xf32, #tpu.memory_space<hbm>>
          %dma_wait3A_82 = arith.constant 0 : i32
          %dma_wait3A_83 = tpu.memref_slice %arg2[%add3A_72, %dma_wait3A_82] : memref<800000x128xf32, #tpu.memory_space<hbm>> -> memref<128x128xf32, #tpu.memory_space<hbm>>
          tpu.wait_dma2 semaphore(%run_scoped3A : memref<!tpu.dma_semaphore, #tpu.memory_space<semaphore_mem>>) src(%dma_wait3A_83 : memref<128x128xf32, #tpu.memory_space<hbm>>) dst(%arg6 : memref<128x128xf32, #tpu.memory_space<vmem>>)
          tpu.yield
        }) : () -> ()
        %scan3A_73 = arith.constant 0 : i32
        %scan3A_74 = arith.constant 8 : i32
        %scan3A_75 = arith.addi %scan3A_73, %scan3A_74 : i32
        %scan3A_76 = arith.constant 1 : i32
        scf.for %scan3A_78 = %scan3A_73 to %scan3A_75 step %scan3A_76  : i32 {
          %mul3A_79 = arith.constant 1 : i32
          %mul3A_80 = arith.muli %scan3A_78, %mul3A_79 : i32
          %add3A_81 = arith.constant 0 : i32
          %add3A_82 = arith.addi %add3A_81, %mul3A_80 : i32
          %mul3A_83 = arith.constant 16 : i32
          %mul3A_84 = arith.muli %add3A_82, %mul3A_83 : i32
          %get3A = arith.index_cast %mul3A_84 : i32 to index
          %get3A_85 = tpu.vector_load %arg7[%get3A] {strides = array<i32>} : memref<128xi32, #tpu.memory_space<vmem>>, vector<16xi32>,
          %get3A_86 = vector.shape_cast %get3A_85 : vector<16xi32> to vector<16xi32>
          %sub3A = vector.broadcast %mul3A_31 : i32 to vector<16xi32>
          %sub3A_87 = arith.subi %get3A_86, %sub3A : vector<16xi32>
          %ge3A = arith.constant 0 : i32
          %ge3A_88 = vector.broadcast %ge3A : i32 to vector<16xi32>
          %ge3A_89 = arith.cmpi sge, %sub3A_87, %ge3A_88 : vector<16xi32>
          %lt3A_90 = arith.constant 12512 : i32
          %lt3A_91 = vector.broadcast %lt3A_90 : i32 to vector<16xi32>
          %lt3A_92 = arith.cmpi slt, %sub3A_87, %lt3A_91 : vector<16xi32>
          %and3A = arith.andi %ge3A_89, %lt3A_92 : vector<16xi1>
          %broadcast_in_dim3A = vector.broadcast %add3A_0 : i32 to vector<16xi32>
          %select_n3A = arith.select %and3A, %sub3A_87, %broadcast_in_dim3A : vector<16xi1>, vector<16xi32>
          %mul3A_93 = arith.constant 16 : i32
          %mul3A_94 = arith.muli %add3A_82, %mul3A_93 : i32
          %swap3A = arith.index_cast %mul3A_94 : i32 to index
          %swap3A_95 = tpu.vector_load %arg7[%swap3A] {strides = array<i32>} : memref<128xi32, #tpu.memory_space<vmem>>, vector<16xi32>,
          %swap3A_96 = vector.shape_cast %swap3A_95 : vector<16xi32> to vector<16xi32>
          %swap3A_97 = vector.shape_cast %select_n3A : vector<16xi32> to vector<16xi32>
          tpu.vector_store %arg7[%swap3A], %swap3A_97 {strides = array<i32>} : memref<128xi32, #tpu.memory_space<vmem>>, vector<16xi32>,
        }
        %scan3A_77 = arith.constant 8 : i32
        "tpu.region"() ({
          %run_scoped3A = tpu.sem_alloc : memref<!tpu.dma_semaphore, #tpu.memory_space<semaphore_mem>>
          %dma_start3A = arith.constant 0 : i32
          %dma_start3A_78 = arith.constant 0 : i32
          %dma_start3A_79 = tpu.memref_slice %arg8[%dma_start3A, %dma_start3A_78] : memref<12800x128xf32, #tpu.memory_space<vmem_shared>> -> memref<12800x128xf32, #tpu.memory_space<vmem_shared>>
          tpu.enqueue_indirect_dma source(%arg6 : memref<128x128xf32, #tpu.memory_space<vmem>>) target(%dma_start3A_79 : memref<12800x128xf32, #tpu.memory_space<vmem_shared>>) offsets(%arg7 : memref<128xi32, #tpu.memory_space<vmem>>) semaphore(%run_scoped3A : memref<!tpu.dma_semaphore, #tpu.memory_space<semaphore_mem>>) {add = true}
          %dma_wait3A = arith.constant 0 : i32
          %dma_wait3A_80 = arith.constant 0 : i32
          %dma_wait3A_81 = tpu.memref_slice %arg8[%dma_wait3A, %dma_wait3A_80] : memref<12800x128xf32, #tpu.memory_space<vmem_shared>> -> memref<12800x128xf32, #tpu.memory_space<vmem_shared>>
          tpu.wait_indirect_dma semaphore(%run_scoped3A : memref<!tpu.dma_semaphore, #tpu.memory_space<semaphore_mem>>) src(%arg6 : memref<128x128xf32, #tpu.memory_space<vmem>>) dst(%dma_wait3A_81 : memref<12800x128xf32, #tpu.memory_space<vmem_shared>>)
          tpu.yield
        }) : () -> ()
      }
      %scan3A_64 = arith.constant 385 : i32
    } else {
    }
    %barrier3A_48 = arith.constant 0 : index
    tpu.barrier barrier_id(%barrier3A_48)
    %lt3A_49 = arith.constant 15 : i32
    %lt3A_50 = arith.cmpi slt, %arg1, %lt3A_49 : i32
    %convert_element_type3A_51 = arith.extui %lt3A_50 : i1 to i32
    %cond3A_52 = arith.constant 0 : i32
    %cond3A_53 = arith.cmpi ne, %convert_element_type3A_51, %cond3A_52 : i32
    scf.if %cond3A_53 {
      %mul3A_60 = arith.constant 784 : i32
      %mul3A_61 = arith.muli %arg1, %mul3A_60 : i32
      %mul3A_62 = arith.constant 784 : i32
      %mul3A_63 = arith.muli %arg1, %mul3A_62 : i32
      %add3A_64 = arith.addi %mul3A_31, %mul3A_63 : i32
      "tpu.region"() ({
        %run_scoped3A = tpu.sem_alloc : memref<!tpu.dma_semaphore, #tpu.memory_space<semaphore_mem>>
        %dma_start3A = arith.constant 0 : i32
        %dma_start3A_65 = tpu.memref_slice %arg5[%add3A_64, %dma_start3A] : memref<50048x128xf32, #tpu.memory_space<hbm>> -> memref<784x128xf32, #tpu.memory_space<hbm>>
        %dma_start3A_66 = arith.constant 0 : i32
        %dma_start3A_67 = tpu.memref_slice %arg8[%mul3A_61, %dma_start3A_66] : memref<12800x128xf32, #tpu.memory_space<vmem_shared>> -> memref<784x128xf32, #tpu.memory_space<vmem_shared>>
        tpu.enqueue_dma source(%dma_start3A_67 : memref<784x128xf32, #tpu.memory_space<vmem_shared>>) target(%dma_start3A_65 : memref<784x128xf32, #tpu.memory_space<hbm>>) target_semaphore(%run_scoped3A : memref<!tpu.dma_semaphore, #tpu.memory_space<semaphore_mem>>)
        %dma_wait3A = arith.constant 0 : i32
        %dma_wait3A_68 = tpu.memref_slice %arg5[%add3A_64, %dma_wait3A] : memref<50048x128xf32, #tpu.memory_space<hbm>> -> memref<784x128xf32, #tpu.memory_space<hbm>>
        %dma_wait3A_69 = arith.constant 0 : i32
        %dma_wait3A_70 = tpu.memref_slice %arg8[%mul3A_61, %dma_wait3A_69] : memref<12800x128xf32, #tpu.memory_space<vmem_shared>> -> memref<784x128xf32, #tpu.memory_space<vmem_shared>>
        tpu.wait_dma2 semaphore(%run_scoped3A : memref<!tpu.dma_semaphore, #tpu.memory_space<semaphore_mem>>) src(%dma_wait3A_70 : memref<784x128xf32, #tpu.memory_space<vmem_shared>>) dst(%dma_wait3A_68 : memref<784x128xf32, #tpu.memory_space<hbm>>)
        tpu.yield
      }) : () -> ()
    } else {
    }
    %eq3A_54 = arith.constant 15 : i32
    %eq3A_55 = arith.cmpi eq, %arg1, %eq3A_54 : i32
    %convert_element_type3A_56 = arith.extui %eq3A_55 : i1 to i32
    %cond3A_57 = arith.constant 0 : i32
    %cond3A_58 = arith.cmpi ne, %convert_element_type3A_56, %cond3A_57 : i32
    scf.if %cond3A_58 {
      %add3A_60 = arith.constant 11760 : i32
      %add3A_61 = arith.addi %mul3A_31, %add3A_60 : i32
      "tpu.region"() ({
        %run_scoped3A = tpu.sem_alloc : memref<!tpu.dma_semaphore, #tpu.memory_space<semaphore_mem>>
        %dma_start3A = arith.constant 0 : i32
        %dma_start3A_62 = tpu.memref_slice %arg5[%add3A_61, %dma_start3A] : memref<50048x128xf32, #tpu.memory_space<hbm>> -> memref<752x128xf32, #tpu.memory_space<hbm>>
        %dma_start3A_63 = arith.constant 11760 : i32
        %dma_start3A_64 = arith.constant 0 : i32
        %dma_start3A_65 = tpu.memref_slice %arg8[%dma_start3A_63, %dma_start3A_64] : memref<12800x128xf32, #tpu.memory_space<vmem_shared>> -> memref<752x128xf32, #tpu.memory_space<vmem_shared>>
        tpu.enqueue_dma source(%dma_start3A_65 : memref<752x128xf32, #tpu.memory_space<vmem_shared>>) target(%dma_start3A_62 : memref<752x128xf32, #tpu.memory_space<hbm>>) target_semaphore(%run_scoped3A : memref<!tpu.dma_semaphore, #tpu.memory_space<semaphore_mem>>)
        %dma_wait3A = arith.constant 0 : i32
        %dma_wait3A_66 = tpu.memref_slice %arg5[%add3A_61, %dma_wait3A] : memref<50048x128xf32, #tpu.memory_space<hbm>> -> memref<752x128xf32, #tpu.memory_space<hbm>>
        %dma_wait3A_67 = arith.constant 11760 : i32
        %dma_wait3A_68 = arith.constant 0 : i32
        %dma_wait3A_69 = tpu.memref_slice %arg8[%dma_wait3A_67, %dma_wait3A_68] : memref<12800x128xf32, #tpu.memory_space<vmem_shared>> -> memref<752x128xf32, #tpu.memory_space<vmem_shared>>
        tpu.wait_dma2 semaphore(%run_scoped3A : memref<!tpu.dma_semaphore, #tpu.memory_space<semaphore_mem>>) src(%dma_wait3A_69 : memref<752x128xf32, #tpu.memory_space<vmem_shared>>) dst(%dma_wait3A_66 : memref<752x128xf32, #tpu.memory_space<hbm>>)
        tpu.yield
      }) : () -> ()
    } else {
    }
    %barrier3A_59 = arith.constant 0 : index
    tpu.barrier barrier_id(%barrier3A_59)
    return
  }
}

module attributes {stable_mosaic.version = 14 : i64} {
  func.func @body(%arg0: i32, %arg1: memref<2000x2xf32, #tpu.memory_space<vmem>>, %arg2: memref<2000x128xf32, #tpu.memory_space<vmem>>, %arg3: memref<2000x128xf32, #tpu.memory_space<vmem>>, %arg4: memref<2x64xf32, #tpu.memory_space<vmem>>, %arg5: memref<1x64xf32, #tpu.memory_space<vmem>>, %arg6: memref<1x64xf32, #tpu.memory_space<vmem>>, %arg7: memref<1x64xf32, #tpu.memory_space<vmem>>, %arg8: memref<64x64xf32, #tpu.memory_space<vmem>>, %arg9: memref<1x64xf32, #tpu.memory_space<vmem>>, %arg10: memref<1x64xf32, #tpu.memory_space<vmem>>, %arg11: memref<1x64xf32, #tpu.memory_space<vmem>>, %arg12: memref<64x64xf32, #tpu.memory_space<vmem>>, %arg13: memref<1x64xf32, #tpu.memory_space<vmem>>, %arg14: memref<1x64xf32, #tpu.memory_space<vmem>>, %arg15: memref<1x64xf32, #tpu.memory_space<vmem>>, %arg16: memref<64x64xf32, #tpu.memory_space<vmem>>, %arg17: memref<1x64xf32, #tpu.memory_space<vmem>>, %arg18: memref<64x64xf32, #tpu.memory_space<vmem>>, %arg19: memref<1x64xf32, #tpu.memory_space<vmem>>, %arg20: memref<64x8xf32, #tpu.memory_space<vmem>>, %arg21: memref<8x64xf32, #tpu.memory_space<vmem>>, %arg22: memref<2000x128xf32, #tpu.memory_space<vmem>>) attributes {dimension_semantics = [#tpu.dimension_semantics<arbitrary>], iteration_bounds = array<i64: 400>, scalar_prefetch = 0 : i64, scratch_operands = 0 : i64, tpu.core_type = #tpu.core_type<tc>, window_params = [{transform_indices = @transform_0, window_bounds = array<i64: 2000, 2>}, {transform_indices = @transform_1, window_bounds = array<i64: 2000, 128>}, {transform_indices = @transform_2, window_bounds = array<i64: 2000, 128>}, {pipeline_mode = #tpu.pipeline_mode<synchronous>, transform_indices = @transform_3, window_bounds = array<i64: 2, 64>}, {pipeline_mode = #tpu.pipeline_mode<synchronous>, transform_indices = @transform_4, window_bounds = array<i64: 1, 64>}, {pipeline_mode = #tpu.pipeline_mode<synchronous>, transform_indices = @transform_5, window_bounds = array<i64: 1, 64>}, {pipeline_mode = #tpu.pipeline_mode<synchronous>, transform_indices = @transform_6, window_bounds = array<i64: 1, 64>}, {pipeline_mode = #tpu.pipeline_mode<synchronous>, transform_indices = @transform_7, window_bounds = array<i64: 64, 64>}, {pipeline_mode = #tpu.pipeline_mode<synchronous>, transform_indices = @transform_8, window_bounds = array<i64: 1, 64>}, {pipeline_mode = #tpu.pipeline_mode<synchronous>, transform_indices = @transform_9, window_bounds = array<i64: 1, 64>}, {pipeline_mode = #tpu.pipeline_mode<synchronous>, transform_indices = @transform_10, window_bounds = array<i64: 1, 64>}, {pipeline_mode = #tpu.pipeline_mode<synchronous>, transform_indices = @transform_11, window_bounds = array<i64: 64, 64>}, {pipeline_mode = #tpu.pipeline_mode<synchronous>, transform_indices = @transform_12, window_bounds = array<i64: 1, 64>}, {pipeline_mode = #tpu.pipeline_mode<synchronous>, transform_indices = @transform_13, window_bounds = array<i64: 1, 64>}, {pipeline_mode = #tpu.pipeline_mode<synchronous>, transform_indices = @transform_14, window_bounds = array<i64: 1, 64>}, {pipeline_mode = #tpu.pipeline_mode<synchronous>, transform_indices = @transform_15, window_bounds = array<i64: 64, 64>}, {pipeline_mode = #tpu.pipeline_mode<synchronous>, transform_indices = @transform_16, window_bounds = array<i64: 1, 64>}, {pipeline_mode = #tpu.pipeline_mode<synchronous>, transform_indices = @transform_17, window_bounds = array<i64: 64, 64>}, {pipeline_mode = #tpu.pipeline_mode<synchronous>, transform_indices = @transform_18, window_bounds = array<i64: 1, 64>}, {pipeline_mode = #tpu.pipeline_mode<synchronous>, transform_indices = @transform_19, window_bounds = array<i64: 64, 8>}, {pipeline_mode = #tpu.pipeline_mode<synchronous>, transform_indices = @transform_20, window_bounds = array<i64: 8, 64>}, {transform_indices = @transform_21, window_bounds = array<i64: 2000, 128>}]} {
    %get3A = arith.constant 0 : index
    %get3A_0 = arith.constant 0 : index
    %get3A_1 = vector.load %arg1[%get3A, %get3A_0] : memref<2000x2xf32, #tpu.memory_space<vmem>>, vector<2000x2xf32>
    %get3A_2 = arith.constant 0 : index
    %get3A_3 = arith.constant 0 : index
    %get3A_4 = vector.load %arg4[%get3A_2, %get3A_3] : memref<2x64xf32, #tpu.memory_space<vmem>>, vector<2x64xf32>
    %dot_general3A = arith.constant dense<0.000000e+00> : vector<2000x64xf32>
    %dot_general3A_5 = tpu.matmul %get3A_1, %get3A_4, %dot_general3A {dimension_numbers = #tpu.dot_dimension_numbers<[1], [0], [0], [1], [0, 0, 1, 1], [], []>, transpose_lhs_hint = false} : vector<2000x2xf32>, vector<2x64xf32>, vector<2000x64xf32> -> vector<2000x64xf32>
    %get3A_6 = arith.constant 0 : index
    %get3A_7 = arith.constant 0 : index
    %get3A_8 = vector.load %arg5[%get3A_6, %get3A_7] : memref<1x64xf32, #tpu.memory_space<vmem>>, vector<1x64xf32>
    %add3A = vector.broadcast %get3A_8 : vector<1x64xf32> to vector<2000x64xf32>
    %add3A_9 = arith.addf %dot_general3A_5, %add3A : vector<2000x64xf32>
    %get3A_10 = arith.constant 0 : index
    %get3A_11 = arith.constant 0 : index
    %get3A_12 = vector.load %arg6[%get3A_10, %get3A_11] : memref<1x64xf32, #tpu.memory_space<vmem>>, vector<1x64xf32>
    %get3A_13 = arith.constant 0 : index
    %get3A_14 = arith.constant 0 : index
    %get3A_15 = vector.load %arg7[%get3A_13, %get3A_14] : memref<1x64xf32, #tpu.memory_space<vmem>>, vector<1x64xf32>
    %reduce_sum3A = arith.constant dense<0.000000e+00> : vector<2000xf32>
    %reduce_sum3A_16 = vector.multi_reduction <add>, %add3A_9, %reduce_sum3A [1] : vector<2000x64xf32> to vector<2000xf32>
    %broadcast_in_dim3A = vector.shape_cast %reduce_sum3A_16 : vector<2000xf32> to vector<2000x1xf32>
    %div3A = arith.constant 6.400000e+01 : f32
    %div3A_17 = vector.broadcast %div3A : f32 to vector<2000x1xf32>
    %div3A_18 = arith.divf %broadcast_in_dim3A, %div3A_17 : vector<2000x1xf32>
    %sub3A = vector.broadcast %div3A_18 : vector<2000x1xf32> to vector<2000x64xf32>
    %sub3A_19 = arith.subf %add3A_9, %sub3A : vector<2000x64xf32>
    %integer_pow3A = arith.mulf %sub3A_19, %sub3A_19 : vector<2000x64xf32>
    %reduce_sum3A_20 = arith.constant dense<0.000000e+00> : vector<2000xf32>
    %reduce_sum3A_21 = vector.multi_reduction <add>, %integer_pow3A, %reduce_sum3A_20 [1] : vector<2000x64xf32> to vector<2000xf32>
    %broadcast_in_dim3A_22 = vector.shape_cast %reduce_sum3A_21 : vector<2000xf32> to vector<2000x1xf32>
    %div3A_23 = arith.constant 6.400000e+01 : f32
    %div3A_24 = vector.broadcast %div3A_23 : f32 to vector<2000x1xf32>
    %div3A_25 = arith.divf %broadcast_in_dim3A_22, %div3A_24 : vector<2000x1xf32>
    %sub3A_26 = vector.broadcast %div3A_18 : vector<2000x1xf32> to vector<2000x64xf32>
    %sub3A_27 = arith.subf %add3A_9, %sub3A_26 : vector<2000x64xf32>
    %add3A_28 = arith.constant 9.99999974E-6 : f32
    %add3A_29 = vector.broadcast %add3A_28 : f32 to vector<2000x1xf32>
    %add3A_30 = arith.addf %div3A_25, %add3A_29 : vector<2000x1xf32>
    %sqrt3A = math.sqrt %add3A_30 : vector<2000x1xf32>
    %div3A_31 = vector.broadcast %sqrt3A : vector<2000x1xf32> to vector<2000x64xf32>
    %div3A_32 = arith.divf %sub3A_27, %div3A_31 : vector<2000x64xf32>
    %mul3A = vector.broadcast %get3A_12 : vector<1x64xf32> to vector<2000x64xf32>
    %mul3A_33 = arith.mulf %div3A_32, %mul3A : vector<2000x64xf32>
    %add3A_34 = vector.broadcast %get3A_15 : vector<1x64xf32> to vector<2000x64xf32>
    %add3A_35 = arith.addf %mul3A_33, %add3A_34 : vector<2000x64xf32>
    %max3A = arith.constant 0.000000e+00 : f32
    %max3A_36 = vector.broadcast %max3A : f32 to vector<2000x64xf32>
    %max3A_37 = arith.maximumf %add3A_35, %max3A_36 : vector<2000x64xf32>
    %get3A_38 = arith.constant 0 : index
    %get3A_39 = arith.constant 0 : index
    %get3A_40 = vector.load %arg2[%get3A_38, %get3A_39] : memref<2000x128xf32, #tpu.memory_space<vmem>>, vector<2000x64xf32>
    %get3A_41 = arith.constant 0 : index
    %get3A_42 = arith.constant 0 : index
    %get3A_43 = vector.load %arg8[%get3A_41, %get3A_42] : memref<64x64xf32, #tpu.memory_space<vmem>>, vector<64x64xf32>
    %dot_general3A_44 = arith.constant dense<0.000000e+00> : vector<2000x64xf32>
    %dot_general3A_45 = tpu.matmul %max3A_37, %get3A_43, %dot_general3A_44 {dimension_numbers = #tpu.dot_dimension_numbers<[1], [0], [0], [1], [0, 0, 1, 1], [], []>, transpose_lhs_hint = false} : vector<2000x64xf32>, vector<64x64xf32>, vector<2000x64xf32> -> vector<2000x64xf32>
    %add3A_46 = arith.addf %get3A_40, %dot_general3A_45 : vector<2000x64xf32>
    %get3A_47 = arith.constant 0 : index
    %get3A_48 = arith.constant 0 : index
    %get3A_49 = vector.load %arg9[%get3A_47, %get3A_48] : memref<1x64xf32, #tpu.memory_space<vmem>>, vector<1x64xf32>
    %add3A_50 = vector.broadcast %get3A_49 : vector<1x64xf32> to vector<2000x64xf32>
    %add3A_51 = arith.addf %add3A_46, %add3A_50 : vector<2000x64xf32>
    %get3A_52 = arith.constant 0 : index
    %get3A_53 = arith.constant 0 : index
    %get3A_54 = vector.load %arg10[%get3A_52, %get3A_53] : memref<1x64xf32, #tpu.memory_space<vmem>>, vector<1x64xf32>
    %get3A_55 = arith.constant 0 : index
    %get3A_56 = arith.constant 0 : index
    %get3A_57 = vector.load %arg11[%get3A_55, %get3A_56] : memref<1x64xf32, #tpu.memory_space<vmem>>, vector<1x64xf32>
    %reduce_sum3A_58 = arith.constant dense<0.000000e+00> : vector<2000xf32>
    %reduce_sum3A_59 = vector.multi_reduction <add>, %add3A_51, %reduce_sum3A_58 [1] : vector<2000x64xf32> to vector<2000xf32>
    %broadcast_in_dim3A_60 = vector.shape_cast %reduce_sum3A_59 : vector<2000xf32> to vector<2000x1xf32>
    %div3A_61 = arith.constant 6.400000e+01 : f32
    %div3A_62 = vector.broadcast %div3A_61 : f32 to vector<2000x1xf32>
    %div3A_63 = arith.divf %broadcast_in_dim3A_60, %div3A_62 : vector<2000x1xf32>
    %sub3A_64 = vector.broadcast %div3A_63 : vector<2000x1xf32> to vector<2000x64xf32>
    %sub3A_65 = arith.subf %add3A_51, %sub3A_64 : vector<2000x64xf32>
    %integer_pow3A_66 = arith.mulf %sub3A_65, %sub3A_65 : vector<2000x64xf32>
    %reduce_sum3A_67 = arith.constant dense<0.000000e+00> : vector<2000xf32>
    %reduce_sum3A_68 = vector.multi_reduction <add>, %integer_pow3A_66, %reduce_sum3A_67 [1] : vector<2000x64xf32> to vector<2000xf32>
    %broadcast_in_dim3A_69 = vector.shape_cast %reduce_sum3A_68 : vector<2000xf32> to vector<2000x1xf32>
    %div3A_70 = arith.constant 6.400000e+01 : f32
    %div3A_71 = vector.broadcast %div3A_70 : f32 to vector<2000x1xf32>
    %div3A_72 = arith.divf %broadcast_in_dim3A_69, %div3A_71 : vector<2000x1xf32>
    %sub3A_73 = vector.broadcast %div3A_63 : vector<2000x1xf32> to vector<2000x64xf32>
    %sub3A_74 = arith.subf %add3A_51, %sub3A_73 : vector<2000x64xf32>
    %add3A_75 = arith.constant 9.99999974E-6 : f32
    %add3A_76 = vector.broadcast %add3A_75 : f32 to vector<2000x1xf32>
    %add3A_77 = arith.addf %div3A_72, %add3A_76 : vector<2000x1xf32>
    %sqrt3A_78 = math.sqrt %add3A_77 : vector<2000x1xf32>
    %div3A_79 = vector.broadcast %sqrt3A_78 : vector<2000x1xf32> to vector<2000x64xf32>
    %div3A_80 = arith.divf %sub3A_74, %div3A_79 : vector<2000x64xf32>
    %mul3A_81 = vector.broadcast %get3A_54 : vector<1x64xf32> to vector<2000x64xf32>
    %mul3A_82 = arith.mulf %div3A_80, %mul3A_81 : vector<2000x64xf32>
    %add3A_83 = vector.broadcast %get3A_57 : vector<1x64xf32> to vector<2000x64xf32>
    %add3A_84 = arith.addf %mul3A_82, %add3A_83 : vector<2000x64xf32>
    %max3A_85 = arith.constant 0.000000e+00 : f32
    %max3A_86 = vector.broadcast %max3A_85 : f32 to vector<2000x64xf32>
    %max3A_87 = arith.maximumf %add3A_84, %max3A_86 : vector<2000x64xf32>
    %get3A_88 = arith.constant 0 : index
    %get3A_89 = arith.constant 0 : index
    %get3A_90 = vector.load %arg12[%get3A_88, %get3A_89] : memref<64x64xf32, #tpu.memory_space<vmem>>, vector<64x64xf32>
    %dot_general3A_91 = arith.constant dense<0.000000e+00> : vector<2000x64xf32>
    %dot_general3A_92 = tpu.matmul %max3A_87, %get3A_90, %dot_general3A_91 {dimension_numbers = #tpu.dot_dimension_numbers<[1], [0], [0], [1], [0, 0, 1, 1], [], []>, transpose_lhs_hint = false} : vector<2000x64xf32>, vector<64x64xf32>, vector<2000x64xf32> -> vector<2000x64xf32>
    %get3A_93 = arith.constant 0 : index
    %get3A_94 = arith.constant 0 : index
    %get3A_95 = vector.load %arg13[%get3A_93, %get3A_94] : memref<1x64xf32, #tpu.memory_space<vmem>>, vector<1x64xf32>
    %add3A_96 = vector.broadcast %get3A_95 : vector<1x64xf32> to vector<2000x64xf32>
    %add3A_97 = arith.addf %dot_general3A_92, %add3A_96 : vector<2000x64xf32>
    %get3A_98 = arith.constant 0 : index
    %get3A_99 = arith.constant 0 : index
    %get3A_100 = vector.load %arg14[%get3A_98, %get3A_99] : memref<1x64xf32, #tpu.memory_space<vmem>>, vector<1x64xf32>
    %get3A_101 = arith.constant 0 : index
    %get3A_102 = arith.constant 0 : index
    %get3A_103 = vector.load %arg15[%get3A_101, %get3A_102] : memref<1x64xf32, #tpu.memory_space<vmem>>, vector<1x64xf32>
    %reduce_sum3A_104 = arith.constant dense<0.000000e+00> : vector<2000xf32>
    %reduce_sum3A_105 = vector.multi_reduction <add>, %add3A_97, %reduce_sum3A_104 [1] : vector<2000x64xf32> to vector<2000xf32>
    %broadcast_in_dim3A_106 = vector.shape_cast %reduce_sum3A_105 : vector<2000xf32> to vector<2000x1xf32>
    %div3A_107 = arith.constant 6.400000e+01 : f32
    %div3A_108 = vector.broadcast %div3A_107 : f32 to vector<2000x1xf32>
    %div3A_109 = arith.divf %broadcast_in_dim3A_106, %div3A_108 : vector<2000x1xf32>
    %sub3A_110 = vector.broadcast %div3A_109 : vector<2000x1xf32> to vector<2000x64xf32>
    %sub3A_111 = arith.subf %add3A_97, %sub3A_110 : vector<2000x64xf32>
    %integer_pow3A_112 = arith.mulf %sub3A_111, %sub3A_111 : vector<2000x64xf32>
    %reduce_sum3A_113 = arith.constant dense<0.000000e+00> : vector<2000xf32>
    %reduce_sum3A_114 = vector.multi_reduction <add>, %integer_pow3A_112, %reduce_sum3A_113 [1] : vector<2000x64xf32> to vector<2000xf32>
    %broadcast_in_dim3A_115 = vector.shape_cast %reduce_sum3A_114 : vector<2000xf32> to vector<2000x1xf32>
    %div3A_116 = arith.constant 6.400000e+01 : f32
    %div3A_117 = vector.broadcast %div3A_116 : f32 to vector<2000x1xf32>
    %div3A_118 = arith.divf %broadcast_in_dim3A_115, %div3A_117 : vector<2000x1xf32>
    %sub3A_119 = vector.broadcast %div3A_109 : vector<2000x1xf32> to vector<2000x64xf32>
    %sub3A_120 = arith.subf %add3A_97, %sub3A_119 : vector<2000x64xf32>
    %add3A_121 = arith.constant 9.99999974E-6 : f32
    %add3A_122 = vector.broadcast %add3A_121 : f32 to vector<2000x1xf32>
    %add3A_123 = arith.addf %div3A_118, %add3A_122 : vector<2000x1xf32>
    %sqrt3A_124 = math.sqrt %add3A_123 : vector<2000x1xf32>
    %div3A_125 = vector.broadcast %sqrt3A_124 : vector<2000x1xf32> to vector<2000x64xf32>
    %div3A_126 = arith.divf %sub3A_120, %div3A_125 : vector<2000x64xf32>
    %mul3A_127 = vector.broadcast %get3A_100 : vector<1x64xf32> to vector<2000x64xf32>
    %mul3A_128 = arith.mulf %div3A_126, %mul3A_127 : vector<2000x64xf32>
    %add3A_129 = vector.broadcast %get3A_103 : vector<1x64xf32> to vector<2000x64xf32>
    %add3A_130 = arith.addf %mul3A_128, %add3A_129 : vector<2000x64xf32>
    %get3A_131 = arith.constant 0 : index
    %get3A_132 = arith.constant 0 : index
    %get3A_133 = vector.load %arg16[%get3A_131, %get3A_132] : memref<64x64xf32, #tpu.memory_space<vmem>>, vector<64x64xf32>
    %dot_general3A_134 = arith.constant dense<0.000000e+00> : vector<2000x64xf32>
    %dot_general3A_135 = tpu.matmul %add3A_130, %get3A_133, %dot_general3A_134 {dimension_numbers = #tpu.dot_dimension_numbers<[1], [0], [0], [1], [0, 0, 1, 1], [], []>, transpose_lhs_hint = false} : vector<2000x64xf32>, vector<64x64xf32>, vector<2000x64xf32> -> vector<2000x64xf32>
    %get3A_136 = arith.constant 0 : index
    %get3A_137 = arith.constant 0 : index
    %get3A_138 = vector.load %arg17[%get3A_136, %get3A_137] : memref<1x64xf32, #tpu.memory_space<vmem>>, vector<1x64xf32>
    %add3A_139 = vector.broadcast %get3A_138 : vector<1x64xf32> to vector<2000x64xf32>
    %add3A_140 = arith.addf %dot_general3A_135, %add3A_139 : vector<2000x64xf32>
    %get3A_141 = arith.constant 0 : index
    %get3A_142 = arith.constant 0 : index
    %get3A_143 = vector.load %arg18[%get3A_141, %get3A_142] : memref<64x64xf32, #tpu.memory_space<vmem>>, vector<64x64xf32>
    %dot_general3A_144 = arith.constant dense<0.000000e+00> : vector<2000x64xf32>
    %dot_general3A_145 = tpu.matmul %add3A_130, %get3A_143, %dot_general3A_144 {dimension_numbers = #tpu.dot_dimension_numbers<[1], [0], [0], [1], [0, 0, 1, 1], [], []>, transpose_lhs_hint = false} : vector<2000x64xf32>, vector<64x64xf32>, vector<2000x64xf32> -> vector<2000x64xf32>
    %get3A_146 = arith.constant 0 : index
    %get3A_147 = arith.constant 0 : index
    %get3A_148 = vector.load %arg19[%get3A_146, %get3A_147] : memref<1x64xf32, #tpu.memory_space<vmem>>, vector<1x64xf32>
    %add3A_149 = vector.broadcast %get3A_148 : vector<1x64xf32> to vector<2000x64xf32>
    %add3A_150 = arith.addf %dot_general3A_145, %add3A_149 : vector<2000x64xf32>
    %get3A_151 = arith.constant 0 : index
    %get3A_152 = arith.constant 64 : index
    %get3A_153 = vector.load %arg3[%get3A_151, %get3A_152] : memref<2000x128xf32, #tpu.memory_space<vmem>>, vector<2000x64xf32>
    %mul3A_154 = arith.mulf %get3A_153, %add3A_140 : vector<2000x64xf32>
    %get3A_155 = arith.constant 0 : index
    %get3A_156 = arith.constant 0 : index
    %get3A_157 = vector.load %arg20[%get3A_155, %get3A_156] : memref<64x8xf32, #tpu.memory_space<vmem>>, vector<64x8xf32>
    %dot_general3A_158 = arith.constant dense<0.000000e+00> : vector<2000x8xf32>
    %dot_general3A_159 = tpu.matmul %mul3A_154, %get3A_157, %dot_general3A_158 {dimension_numbers = #tpu.dot_dimension_numbers<[1], [0], [0], [1], [0, 0, 1, 1], [], []>, transpose_lhs_hint = false} : vector<2000x64xf32>, vector<64x8xf32>, vector<2000x8xf32> -> vector<2000x8xf32>
    %exp3A = math.exp %dot_general3A_159 : vector<2000x8xf32>
    %get3A_160 = arith.constant 0 : index
    %get3A_161 = arith.constant 0 : index
    %get3A_162 = vector.load %arg21[%get3A_160, %get3A_161] : memref<8x64xf32, #tpu.memory_space<vmem>>, vector<8x64xf32>
    %dot_general3A_163 = arith.constant dense<0.000000e+00> : vector<2000x64xf32>
    %dot_general3A_164 = tpu.matmul %exp3A, %get3A_162, %dot_general3A_163 {dimension_numbers = #tpu.dot_dimension_numbers<[1], [0], [0], [1], [0, 0, 1, 1], [], []>, transpose_lhs_hint = false} : vector<2000x8xf32>, vector<8x64xf32>, vector<2000x64xf32> -> vector<2000x64xf32>
    %mul3A_165 = arith.mulf %add3A_150, %dot_general3A_164 : vector<2000x64xf32>
    %swap3A = arith.constant 0 : index
    %swap3A_166 = arith.constant 0 : index
    %swap3A_167 = vector.load %arg22[%swap3A, %swap3A_166] : memref<2000x128xf32, #tpu.memory_space<vmem>>, vector<2000x8xf32>
    tpu.vector_store %arg22[%swap3A, %swap3A_166], %exp3A {strides = array<i32>} : memref<2000x128xf32, #tpu.memory_space<vmem>>, vector<2000x8xf32>,
    %swap3A_168 = arith.constant 0 : index
    %swap3A_169 = arith.constant 8 : index
    %swap3A_170 = vector.load %arg22[%swap3A_168, %swap3A_169] : memref<2000x128xf32, #tpu.memory_space<vmem>>, vector<2000x64xf32>
    tpu.vector_store %arg22[%swap3A_168, %swap3A_169], %mul3A_165 {strides = array<i32>} : memref<2000x128xf32, #tpu.memory_space<vmem>>, vector<2000x64xf32>,
    %broadcast_in_dim3A_171 = arith.constant 0.000000e+00 : f32
    %broadcast_in_dim3A_172 = vector.broadcast %broadcast_in_dim3A_171 : f32 to vector<2000x56xf32>
    %swap3A_173 = arith.constant 0 : index
    %swap3A_174 = arith.constant 72 : index
    %swap3A_175 = vector.load %arg22[%swap3A_173, %swap3A_174] : memref<2000x128xf32, #tpu.memory_space<vmem>>, vector<2000x56xf32>
    tpu.vector_store %arg22[%swap3A_173, %swap3A_174], %broadcast_in_dim3A_172 {strides = array<i32>} : memref<2000x128xf32, #tpu.memory_space<vmem>>, vector<2000x56xf32>,
    return
  }
  func.func @transform_0(%arg0: i32) -> (i32, i32) {
    %c0_i32 = arith.constant 0 : i32
    %c0_i32_0 = arith.constant 0 : i32
    return %arg0, %c0_i32 : i32, i32
  }
  func.func @transform_1(%arg0: i32) -> (i32, i32) {
    %c0_i32 = arith.constant 0 : i32
    %c0_i32_0 = arith.constant 0 : i32
    return %arg0, %c0_i32 : i32, i32
  }
  func.func @transform_2(%arg0: i32) -> (i32, i32) {
    %c0_i32 = arith.constant 0 : i32
    %c0_i32_0 = arith.constant 0 : i32
    return %arg0, %c0_i32 : i32, i32
  }
  func.func @transform_3(%arg0: i32) -> (i32, i32) {
    %c0_i32 = arith.constant 0 : i32
    %c0_i32_0 = arith.constant 0 : i32
    %c0_i32_1 = arith.constant 0 : i32
    return %c0_i32, %c0_i32_0 : i32, i32
  }
  func.func @transform_4(%arg0: i32) -> (i32, i32) {
    %c0_i32 = arith.constant 0 : i32
    %c0_i32_0 = arith.constant 0 : i32
    %c0_i32_1 = arith.constant 0 : i32
    return %c0_i32, %c0_i32_0 : i32, i32
  }
  func.func @transform_5(%arg0: i32) -> (i32, i32) {
    %c0_i32 = arith.constant 0 : i32
    %c0_i32_0 = arith.constant 0 : i32
    %c0_i32_1 = arith.constant 0 : i32
    return %c0_i32, %c0_i32_0 : i32, i32
  }
  func.func @transform_6(%arg0: i32) -> (i32, i32) {
    %c0_i32 = arith.constant 0 : i32
    %c0_i32_0 = arith.constant 0 : i32
    %c0_i32_1 = arith.constant 0 : i32
    return %c0_i32, %c0_i32_0 : i32, i32
  }
  func.func @transform_7(%arg0: i32) -> (i32, i32) {
    %c0_i32 = arith.constant 0 : i32
    %c0_i32_0 = arith.constant 0 : i32
    %c0_i32_1 = arith.constant 0 : i32
    return %c0_i32, %c0_i32_0 : i32, i32
  }
  func.func @transform_8(%arg0: i32) -> (i32, i32) {
    %c0_i32 = arith.constant 0 : i32
    %c0_i32_0 = arith.constant 0 : i32
    %c0_i32_1 = arith.constant 0 : i32
    return %c0_i32, %c0_i32_0 : i32, i32
  }
  func.func @transform_9(%arg0: i32) -> (i32, i32) {
    %c0_i32 = arith.constant 0 : i32
    %c0_i32_0 = arith.constant 0 : i32
    %c0_i32_1 = arith.constant 0 : i32
    return %c0_i32, %c0_i32_0 : i32, i32
  }
  func.func @transform_10(%arg0: i32) -> (i32, i32) {
    %c0_i32 = arith.constant 0 : i32
    %c0_i32_0 = arith.constant 0 : i32
    %c0_i32_1 = arith.constant 0 : i32
    return %c0_i32, %c0_i32_0 : i32, i32
  }
  func.func @transform_11(%arg0: i32) -> (i32, i32) {
    %c0_i32 = arith.constant 0 : i32
    %c0_i32_0 = arith.constant 0 : i32
    %c0_i32_1 = arith.constant 0 : i32
    return %c0_i32, %c0_i32_0 : i32, i32
  }
  func.func @transform_12(%arg0: i32) -> (i32, i32) {
    %c0_i32 = arith.constant 0 : i32
    %c0_i32_0 = arith.constant 0 : i32
    %c0_i32_1 = arith.constant 0 : i32
    return %c0_i32, %c0_i32_0 : i32, i32
  }
  func.func @transform_13(%arg0: i32) -> (i32, i32) {
    %c0_i32 = arith.constant 0 : i32
    %c0_i32_0 = arith.constant 0 : i32
    %c0_i32_1 = arith.constant 0 : i32
    return %c0_i32, %c0_i32_0 : i32, i32
  }
  func.func @transform_14(%arg0: i32) -> (i32, i32) {
    %c0_i32 = arith.constant 0 : i32
    %c0_i32_0 = arith.constant 0 : i32
    %c0_i32_1 = arith.constant 0 : i32
    return %c0_i32, %c0_i32_0 : i32, i32
  }
  func.func @transform_15(%arg0: i32) -> (i32, i32) {
    %c0_i32 = arith.constant 0 : i32
    %c0_i32_0 = arith.constant 0 : i32
    %c0_i32_1 = arith.constant 0 : i32
    return %c0_i32, %c0_i32_0 : i32, i32
  }
  func.func @transform_16(%arg0: i32) -> (i32, i32) {
    %c0_i32 = arith.constant 0 : i32
    %c0_i32_0 = arith.constant 0 : i32
    %c0_i32_1 = arith.constant 0 : i32
    return %c0_i32, %c0_i32_0 : i32, i32
  }
  func.func @transform_17(%arg0: i32) -> (i32, i32) {
    %c0_i32 = arith.constant 0 : i32
    %c0_i32_0 = arith.constant 0 : i32
    %c0_i32_1 = arith.constant 0 : i32
    return %c0_i32, %c0_i32_0 : i32, i32
  }
  func.func @transform_18(%arg0: i32) -> (i32, i32) {
    %c0_i32 = arith.constant 0 : i32
    %c0_i32_0 = arith.constant 0 : i32
    %c0_i32_1 = arith.constant 0 : i32
    return %c0_i32, %c0_i32_0 : i32, i32
  }
  func.func @transform_19(%arg0: i32) -> (i32, i32) {
    %c0_i32 = arith.constant 0 : i32
    %c0_i32_0 = arith.constant 0 : i32
    %c0_i32_1 = arith.constant 0 : i32
    return %c0_i32, %c0_i32_0 : i32, i32
  }
  func.func @transform_20(%arg0: i32) -> (i32, i32) {
    %c0_i32 = arith.constant 0 : i32
    %c0_i32_0 = arith.constant 0 : i32
    %c0_i32_1 = arith.constant 0 : i32
    return %c0_i32, %c0_i32_0 : i32, i32
  }
  func.func @transform_21(%arg0: i32) -> (i32, i32) {
    %c0_i32 = arith.constant 0 : i32
    %c0_i32_0 = arith.constant 0 : i32
    return %arg0, %c0_i32 : i32, i32
  }
}

</mosaic_0001>

<sc_bundles>
// kernel: kernel.5.cloned.1.call-start
scs
__scs_entry_jumppad:
0x0: {  	(pc) =	sbr.rel $0x88, $3  }
0x1: {  	(tag) =	ssettag $0x0;
	lr =	simm.s32 $0x1  }
0x2: {  	[smem:$0x3F67] =	sst lr;
	_ =	strace $0xD0000000  }
0x3: {  	_ = 	snop  }
0x4: {  	_ = 	snop  }
0x5: {  	_ = 	snop  }
0x6: {  	_ = 	snop  }
0x7: {  	_ = 	snop  }
__scs_overlays_trampoline_lowered:
0x8: {  	[smem:$0x3F76] =	sst s0  }
0x9: {  	[smem:$0x3F77] =	sst s1  }
0xa: {  	[smem:$0x3F78] =	sst s2  }
0xb: {  	[smem:$0x3F79] =	sst s3  }
0xc: {  	[smem:$0x3F7A] =	sst s4  }
0xd: {  	[smem:$0x3F7B] =	sst s5  }
0xe: {  	[smem:$0x3F7C] =	sst s6  }
0xf: {  	[smem:$0x3F7D] =	sst s7  }
0x10: {  	[smem:$0x3F7E] =	sst s8  }
0x11: {  	[smem:$0x3F7F] =	sst s9;
	s0 =	simm.s32 @!p0 $0x0  }
0x12: {  	s1 =	sld [smem:$0x3F65];
	s0 =	simm.s32 @p0 $0x1  }
0x13: {  	[smem:$0x3F80] =	sst s0;
	s0 =	simm.s32 @!p1 $0x0  }
0x14: {  	s2 =	sld [smem:$0x3F64];
	s0 =	simm.s32 @p1 $0x1  }
0x15: {  	[smem:$0x3F81] =	sst s0;
	s0 =	simm.s32 @!p2 $0x0  }
0x16: {  	s3 =	sld [smem:$0x3FDB];
	s0 =	simm.s32 @p2 $0x1  }
0x17: {  	s4 =	simm.s32 $0x1BF5;
	[smem:$0x3F83] =	sst s0  }
0x18: {  	s0 =	sld [smem:$0x3F66];
	_ =	swait.ge [sflag:s4], $0x0  }
0x19: {  	s7 =	sld [smem:$0x3F67]  }
0x1a: {  	s8 =	sadd.s32 $0xFFFFE003, lr  }
0x1b: {  	s9 =	sadd.s32 $0xFFFFFEF7, lr;
	s5 =	simm.s32 $0xFFFFFFFF;
	p2 =	slt.u32 s8, $0xFFFFF086  }
0x1c: {  	p1 =	slt.u32 s9, $0xF7A;
	s5 =	simm.s32 @!p2 $0x0  }
0x1d: {  	s5 =	simm.s32 @p1 $0x1;
	p0 =	seq.s32 s7, s2  }
0x1e: {  	s7 =	smul.u32 @!p0 $0xF7A, s2;
	p2 =	seq.s32 @!p0 s5, $0x0  }
0x1f: {  	s9 =	smul.u32 $0xF7A, s1;
	s8 =	simm.s32 @!p0 $0x1BF5;
	p2 =	por !p2, p0  }
0x20: {  	[sflag:s8] =	ssyncset.s32 @!p0 $0xFFFFF086;
	s6 =	sadd.s32 @!p0 s3, s7;
	s7 =	simm.s32 @!p0 $0x108  }
0x21: {  	s3 =	sadd.s32 s3, s9;
	s6 =	sadd.s32 @!p0 $0x88, s6;
	s7 =	simm.s32 @p2 $0x1082  }
0x22: {  	[simem:s7], [sflag:s8] =	dma.local @!p0 [hbm:s6], $0xF7A  }
0x23: {  	s9 =	sor.u32 $0xD0000000, s2;
	s6 =	simm.s32 $0x108;
	_ =	swait.ge @!p0 [sflag:s8], $0x0  }
0x24: {  	s3 =	sadd.s32 $0x88, s3;
	s6 =	simm.s32 @!p1 $0x1082;
	[sflag:s4] =	ssyncset.s32 $0xFFFFF086  }
0x25: {  	[simem:s6], [sflag:s4] =	dma.local [hbm:s3], $0xF7A  }
0x26: {  	[smem:$0x3F67] =	sst s1;
	(tag) =	ssettag s2;
	_ =	strace s9  }
0x27: {  	s1 =	sld [smem:$0x3F77]  }
0x28: {  	s2 =	sld [smem:$0x3F78]  }
0x29: {  	s4 =	sld [smem:$0x3F7A]  }
0x2a: {  	p0 =	seq.s32 s5, $0x0;
	s5 =	sld [smem:$0x3F7B]  }
0x2b: {  	s6 =	sld [smem:$0x3F7C]  }
0x2c: {  	s7 =	sld [smem:$0x3F7D]  }
0x2d: {  	s3 =	simm.s32 $0x108;
	s8 =	sld [smem:$0x3F7E]  }
0x2e: {  	s3 =	simm.s32 @!p0 $0x1082;
	s9 =	sld [smem:$0x3F7F]  }
0x2f: {  	lr =	sadd.s32 s0, s3;
	s0 =	sld [smem:$0x3F76]  }
0x30: {  	s3 =	sld [smem:$0x3F79]  }
0x31: {  	[smem:$0x3F82] =	sst s10  }
0x32: {  	s10 =	sld [smem:$0x3F80];
	_ =	sdelay $0x3  }
0x33: {  	p0 =	seq.s32 s10, $0x1;
	s10 =	sld [smem:$0x3F82];
	_ =	sdelay $0x3  }
0x34: {  	[smem:$0x3F82] =	sst s10  }
0x35: {  	s10 =	sld [smem:$0x3F81];
	_ =	sdelay $0x3  }
0x36: {  	p1 =	seq.s32 s10, $0x1;
	s10 =	sld [smem:$0x3F82];
	_ =	sdelay $0x3  }
0x37: {  	[smem:$0x3F82] =	sst s10  }
0x38: {  	s10 =	sld [smem:$0x3F83]  }
0x39: {  	_ = 	snop;
	(pc) =	sbr.ind lr, $3  }
0x3a: {  	_ = 	snop  }
0x3b: {  	_ = 	snop  }
0x3c: {  	p2 =	seq.s32 s10, $0x1;
	s10 =	sld [smem:$0x3F82]  }
0x3d: {  	_ =	shalt  }
0x3e: {  	_ =	shalt  }
0x3f: {  	_ =	shalt  }
0x40: {  	_ =	shalt  }
0x41: {  	_ =	shalt  }
0x42: {  	_ =	shalt  }
0x43: {  	_ =	shalt  }
0x44: {  	_ =	shalt  }
0x45: {  	_ =	shalt  }
0x46: {  	_ =	shalt  }
0x47: {  	_ =	shalt  }
0x48: {  	_ =	shalt  }
0x49: {  	_ =	shalt  }
0x4a: {  	_ =	shalt  }
0x4b: {  	_ =	shalt  }
0x4c: {  	_ =	shalt  }
0x4d: {  	_ =	shalt  }
0x4e: {  	_ =	shalt  }
0x4f: {  	_ =	shalt  }
0x50: {  	_ =	shalt  }
0x51: {  	_ =	shalt  }
0x52: {  	_ =	shalt  }
0x53: {  	_ =	shalt  }
0x54: {  	_ =	shalt  }
0x55: {  	_ =	shalt  }
0x56: {  	_ =	shalt  }
0x57: {  	_ =	shalt  }
0x58: {  	_ =	shalt  }
0x59: {  	_ =	shalt  }
0x5a: {  	_ =	shalt  }
0x5b: {  	_ =	shalt  }
0x5c: {  	_ =	shalt  }
0x5d: {  	_ =	shalt  }
0x5e: {  	_ =	shalt  }
0x5f: {  	_ =	shalt  }
0x60: {  	_ =	shalt  }
0x61: {  	_ =	shalt  }
0x62: {  	_ =	shalt  }
0x63: {  	_ =	shalt  }
0x64: {  	_ =	shalt  }
0x65: {  	_ =	shalt  }
0x66: {  	_ =	shalt  }
0x67: {  	_ =	shalt  }
0x68: {  	_ =	shalt  }
0x69: {  	_ =	shalt  }
0x6a: {  	_ =	shalt  }
0x6b: {  	_ =	shalt  }
0x6c: {  	_ =	shalt  }
0x6d: {  	_ =	shalt  }
0x6e: {  	_ =	shalt  }
0x6f: {  	_ =	shalt  }
0x70: {  	_ =	shalt  }
0x71: {  	_ =	shalt  }
0x72: {  	_ =	shalt  }
0x73: {  	_ =	shalt  }
0x74: {  	_ =	shalt  }
0x75: {  	_ =	shalt  }
0x76: {  	_ =	shalt  }
0x77: {  	_ =	shalt  }
0x78: {  	_ =	shalt  }
0x79: {  	_ =	shalt  }
0x7a: {  	_ =	shalt  }
0x7b: {  	_ =	shalt  }
0x7c: {  	_ =	shalt  }
0x7d: {  	_ =	shalt  }
0x7e: {  	_ =	shalt  }
0x7f: {  	_ =	shalt  }
0x80: {  	_ =	shalt  }
0x81: {  	_ =	shalt  }
0x82: {  	_ =	shalt  }
0x83: {  	_ =	shalt  }
0x84: {  	_ =	shalt  }
0x85: {  	_ =	shalt  }
0x86: {  	_ =	shalt  }
0x87: {  	_ =	shalt  }
.Lfunc_end0:
.L_simem_size_0:
called_computation_lowered:
.L_overlay_start_0:
0x88: {  	s2 =	sld [smem:$0x3FD9]  }
0x89: {  	s3 =	sld [smem:$0x3FFE];
	_ =	sdelay $0x1  }
0x8a: {  	s1 =	srdreg.scid  }
0x8b: {  	s0 =	sand.u32 $0x1, s1  }
0x8c: {  	s16 =	sshll.u32 s0, $0xA;
	s2 =	sadd.s32 s3, s2  }
0x8d: {  	s2 =	sadd.s32 s2, s16  }
0x8e: {  	[smem:$0x3F8E] =	sst s2  }
0x8f: {  	_ = 	snop  }
0x90: {  	(tm) =	ssettm $0x1  }
0x91: {  	s17 =	sld [smem:$0x3FFB];
	_ =	sdelay $0x3  }
0x92: {  	_ =	strace s17  }
0x93: {  	s2 =	sld [smem:$0x3FFC];
	_ =	sdelay $0x3  }
0x94: {  	_ =	strace s2  }
0x95: {  	s2 =	sld [smem:$0x3FFD];
	_ =	sdelay $0x3  }
0x96: {  	_ =	strace s2  }
0x97: {  	_ =	strace $0x8FFFFFFF  }
0x98: {  	s18 =	sld [smem:$0x3FDB];
	_ =	sdelay $0x1  }
0x99: {  	s19 =	simm.s32 $_scs_section_size  }
0x9a: {  	s4 =	simm.s32 $_size__tile_overlayer_lowered;
	s5 =	simm.s32 $_tile_overlayer_lowered  }
0x9b: {  	s22 =	simm.s32 $0x1BFF;
	s21 =	sshll.u32 s5, $0x1;
	s2 =	sadd.s32 s19, s18  }
0x9c: {  	s6 =	simm.s32 $0x0;
	s20 =	sshll.u32 s4, $0x1;
	s4 =	sadd.s32 s21, s2  }
0x9d: {  	[timem:s6], [sflag:s22] =	dma.local [hbm:s4], s20  }
0x9e: {  	_ =	swait.ge [sflag:s22], s20  }
0x9f: {  	s3 =	ssub.s32 $0x0, s20;
	[sflag:s22] =	ssyncset.done $0x0  }
0xa0: {  	[sflag:s22] =	ssyncadd.s32 s3;
	_ =	sdelay $0x1  }
0xa1: {  	s23 =	simm.s32 $0x1B8B  }
0xa2: {  	_ =	swait.ge [sflag:s23], $0x1  }
0xa3: {  	[sflag:s23] =	ssyncset.done $0x0  }
0xa4: {  	s25 =	simm.s32 $0x1B8E;
	s24 =	sld [smem:$0x3FFE];
	[sflag:s23] =	ssyncadd.s32 $0xFFFFFFFF  }
0xa5: {  	s26 =	simm.s32 $execute0_lowered;
	[smem:$0x3FD2] =	sst s25  }
0xa6: {  	s4 =	sshll.u32 s26, $0x1;
	_ =	strace $0x80000046;
	[dreg:$0x1] =	wrdreg $0xFFFFFFFF  }
0xa7: {  	s28 =	simm.s32 $_size_execute0_lowered;
	s2 =	sadd.s32 s2, s4;
	[dreg:$0x0] =	wrdreg $0x0  }
0xa8: {  	s4 =	sshll.u32 s28, $0x1;
	[dreg:$0x2] =	wrdreg s2  }
0xa9: {  	[dreg:$0x3] =	wrdreg s4  }
0xaa: {  	[dreg:$0x4] =	wrdreg $0xC0  }
0xab: {  	_ =	task [dreg:s6], $0x5FFFF  }
0xac: {  	[dreg:$0x1] =	wrdreg $0xFFFFFFFF  }
0xad: {  	[dreg:$0x0] =	wrdreg $0x60  }
0xae: {  	[dreg:$0x2] =	wrdreg s24  }
0xaf: {  	[dreg:$0x3] =	wrdreg $0x9  }
0xb0: {  	_ =	task.clear_ibuf [dreg:s6], $0x4FFFF;
	_ =	strace $0x90000046  }
0xb1: {  	s29 =	simm.s32 $0x9;
	_ =	strace $0x80000048  }
0xb2: {  	_ =	swait.ge [sflag:s29], $0x1  }
0xb3: {  	[sflag:s29] =	ssyncadd.s32 $0xFFFFFFFF  }
0xb4: {  	_ =	strace $0x90000048  }
0xb5: {  	_ =	sfence  }
0xb6: {  	s30 =	sld [smem:$0x0];
	_ =	sdelay $0x2  }
0xb7: {  	s31 =	sshll.u32 s1, $0xD;
	s1 =	sshrl.u32 s1, $0x2  }
0xb8: {  	s3 =	sand.u32 $0x4000, s31;
	s1 =	sadd.s32 s1, s30  }
0xb9: {  	s0 =	sor.u32 s3, s0;
	s1 =	sshll.u32 s1, $0x11  }
0xba: {  	s0 =	sor.u32 s1, s0  }
0xbb: {  	s0 =	sadd.s32 $0x8F2B, s0  }
0xbc: {  	[sflag:s0] =	ssyncadd.remote.s32 $0x1  }
0xbd: {  	_ =	sfence.sel $0xFFFF  }
0xbe: {  	[dreg:$0x0] =	wrdreg $0xFFFFFFFF;
	(pc) =	sbr.abs _section_cstart, $3  }
0xbf: {  	[dreg:$0x1] =	wrdreg $0xFFFFFFFF  }
0xc0: {  	_ =	task.clear_ibuf [dreg:s6], $0x2FFFF;
	_ =	strace $0x9FFFFFFF  }
0xc1: {  	(tm) =	ssettm $0x7FFFFFFF  }
tec
execute0_lowered:
.L_overlay_start_1:
0x0: {  	(tag) =	ssettag $0x1  }
0x1: {  	s1 =	srdreg.scid  }
0x2: {  	s0 =	stileid.u32;
	s4 =	rddreg [dreg:$0x0];
	s2 =	simm.s32 $0x0  }
0x3: {  	s10 =	simm.s32 $0x100;
	s11 =	simm.s32 $0xC8;
	s12 =	simm.s32 $0x200  }
0x4: {  	s13 =	simm.s32 $0x6600;
	s14 =	simm.s32 $0x1;
	s6 =	smul.u32 $0xC350, s0  }
0x5: {  	s15 =	simm.s32 $0x2;
	s5 =	sand.u32 $0x1, s1;
	s8 =	smul.u32 $0xC3500, s0  }
0x6: {  	s16 =	simm.s32 $0x0;
	s1 =	rddreg [dreg:$0x1];
	s7 =	smul.u32 $0x61A8, s5  }
0x7: {  	[smem:$0x7FF] =	sst s2;
	s3 =	sadd.s32 $0x1C2000, s4;
	s9 =	smul.u32 $0x61A80, s5  }
0x8: {  	_ =	strace $0x80000047;
	s5 =	ssub.s32 $0x2, s5;
	s29 =	sadd.s32 s8, s4  }
0x9: {  	s30 =	sshrl.u32 s5, $0x1;
	s6 =	sadd.s32 s7, s6;
	s7 =	sadd.s32 s9, s29  }
0xa: {  	s5 =	ssub.s32 s5, s30;
	s9 =	simm.s32 $0x3;
	s6 =	sshrl.u32 s6, $0x3  }
0xb: {  	s5 =	smax.u32 s5, $0x1;
	s31 =	sadd.s32 s6, s4;
	s4 =	sadd.s32 $0x285600, s7  }
0xc: {  	s6 =	sadd.s32 $0xEBA600, s7;
	s7 =	sadd.s32 $0x22C00, s31;
	s8 =	sadd.s32 $0xA400, s31  }
.LBB2_1:
0xd: {  	s17 =	sadd.s32 $0x0, s8  }
0xe: {  	[tilespmem:s2], [sflag:$0x3] =	stream.linear.gather [hbm4b:s17+s2], $0xC8, $0x38;
	[tilespmem:$0xCA00] =	vst v63  }
0xf: {  	_ =	swait.ge [sflag:s9], $0xC8  }
0x10: {  	[sflag:s9] =	ssyncset.done $0x0  }
0x11: {  	s31 =	sadd.s32 $0x0, s7;
	[sflag:s9] =	ssyncadd.s32 $0xFFFFFF38  }
0x12: {  	[tilespmem:s10], [sflag:$0x3] =	stream.linear.gather [hbm4b:s31+s2], $0xC8, $0x38;
	[tilespmem:$0xCA00] =	vst v63  }
0x13: {  	_ =	swait.ge [sflag:s9], $0xC8  }
0x14: {  	[sflag:s9] =	ssyncset.done $0x0  }
0x15: {  	[sflag:s9] =	ssyncadd.s32 $0xFFFFFF38  }
0x16: {  	[tilespmem:s12], [sflag:$0x1] =	stream.indirect.gather [hbm4b:s3+s11], $0x80, s2, s11, $0xb8;
	[tilespmem:$0xCA00] =	vst v63  }
0x17: {  	_ = 	snop  }
0x18: {  	[tilespmem:s13], [sflag:$0x2] =	stream.indirect.gather [hbm4b:s3+s11], $0x80, s10, s11, $0xb8;
	[tilespmem:$0xCA00] =	vst v63  }
0x19: {  	_ =	swait.ge [sflag:s14], $0x6400  }
0x1a: {  	[sflag:s14] =	ssyncset.done $0x0  }
0x1b: {  	[sflag:s14] =	ssyncadd.s32 $0xFFFF9C00  }
0x1c: {  	_ =	swait.ge [sflag:s15], $0x6400  }
0x1d: {  	[sflag:s15] =	ssyncset.done $0x0  }
0x1e: {  	[sflag:s15] =	ssyncadd.s32 $0xFFFF9C00  }
0x1f: {  	[hbm4b:s4+s2] =	stream.linear.scatter [tilespmem:s12], [sflag:$0x3], $0x6400, $0x38;
	[tilespmem:$0xCA00] =	vst v63  }
0x20: {  	_ =	swait.ge [sflag:s9], $0x6400  }
0x21: {  	[sflag:s9] =	ssyncset.done $0x0  }
0x22: {  	[sflag:s9] =	ssyncadd.s32 $0xFFFF9C00  }
0x23: {  	[hbm4b:s6+s2] =	stream.linear.scatter [tilespmem:s13], [sflag:$0x3], $0x6400, $0x38;
	[tilespmem:$0xCA00] =	vst v63  }
0x24: {  	s19 =	simm.s32 $0x19;
	s20 =	simm.s32 $0x32;
	_ =	swait.ge [sflag:s9], $0x6400  }
0x25: {  	s18 =	sadd.s32 $0xC80, s4;
	s17 =	sadd.s32 $0xC80, s6;
	[sflag:s9] =	ssyncset.done $0x0  }
.LBB2_2:
0x26: {  	s21 =	sadd.s32 s19, s8  }
0x27: {  	[sflag:s9] =	ssyncadd.s32 $0xFFFF9C00;
	s22 =	smov.u32 s20;
	s23 =	sadd.s32 $0x19, s20  }
0x28: {  	[tilespmem:s2], [sflag:$0x3] =	stream.linear.gather [hbm4b:s21+s2], $0xC8, $0x38;
	[tilespmem:$0xCA00] =	vst v63  }
0x29: {  	p0 =	sne.s32 s20, $0xC1C;
	_ =	swait.ge [sflag:s9], $0xC8  }
0x2a: {  	[sflag:s9] =	ssyncset.done $0x0  }
0x2b: {  	s20 =	sadd.s32 s19, s7;
	s19 =	smov.u32 s22;
	[sflag:s9] =	ssyncadd.s32 $0xFFFFFF38  }
0x2c: {  	[tilespmem:s10], [sflag:$0x3] =	stream.linear.gather [hbm4b:s20+s2], $0xC8, $0x38;
	[tilespmem:$0xCA00] =	vst v63  }
0x2d: {  	_ =	swait.ge [sflag:s9], $0xC8  }
0x2e: {  	[sflag:s9] =	ssyncset.done $0x0  }
0x2f: {  	[sflag:s9] =	ssyncadd.s32 $0xFFFFFF38  }
0x30: {  	[tilespmem:s12], [sflag:$0x1] =	stream.indirect.gather [hbm4b:s3+s11], $0x80, s2, s11, $0xb8;
	[tilespmem:$0xCA00] =	vst v63  }
0x31: {  	_ = 	snop  }
0x32: {  	[tilespmem:s13], [sflag:$0x2] =	stream.indirect.gather [hbm4b:s3+s11], $0x80, s10, s11, $0xb8;
	[tilespmem:$0xCA00] =	vst v63  }
0x33: {  	_ =	swait.ge [sflag:s14], $0x6400  }
0x34: {  	[sflag:s14] =	ssyncset.done $0x0  }
0x35: {  	[sflag:s14] =	ssyncadd.s32 $0xFFFF9C00  }
0x36: {  	_ =	swait.ge [sflag:s15], $0x6400  }
0x37: {  	[sflag:s15] =	ssyncset.done $0x0  }
0x38: {  	[sflag:s15] =	ssyncadd.s32 $0xFFFF9C00  }
0x39: {  	[hbm4b:s18+s2] =	stream.linear.scatter [tilespmem:s12], [sflag:$0x3], $0x6400, $0x38;
	[tilespmem:$0xCA00] =	vst v63  }
0x3a: {  	_ =	swait.ge [sflag:s9], $0x6400  }
.Ltmp0:
0x3b: {  	[sflag:s9] =	ssyncset.done $0x0;
	(pc) =	sbr.rel @p0 .LBB2_2-.Ltmp0, $4  }
0x3c: {  	[sflag:s9] =	ssyncadd.s32 $0xFFFF9C00  }
0x3d: {  	[hbm4b:s17+s2] =	stream.linear.scatter [tilespmem:s13], [sflag:$0x3], $0x6400, $0x38;
	[tilespmem:$0xCA00] =	vst v63  }
0x3e: {  	s20 =	smov.u32 s23;
	_ =	swait.ge [sflag:s9], $0x6400  }
0x3f: {  	s18 =	sadd.s32 $0xC80, s18;
	s17 =	sadd.s32 $0xC80, s17;
	[sflag:s9] =	ssyncset.done $0x0  }
0x40: {  	s20 =	sadd.s32 s19, s8;
	[sflag:s9] =	ssyncadd.s32 $0xFFFF9C00  }
0x41: {  	[tilespmem:s2], [sflag:$0x3] =	stream.linear.gather [hbm4b:s20+s2], $0xC8, $0x38;
	[tilespmem:$0xCA00] =	vst v63  }
0x42: {  	_ =	swait.ge [sflag:s9], $0xC8  }
0x43: {  	[sflag:s9] =	ssyncset.done $0x0  }
0x44: {  	s31 =	sadd.s32 s19, s7;
	[sflag:s9] =	ssyncadd.s32 $0xFFFFFF38  }
0x45: {  	[tilespmem:s10], [sflag:$0x3] =	stream.linear.gather [hbm4b:s31+s2], $0xC8, $0x38;
	[tilespmem:$0xCA00] =	vst v63  }
0x46: {  	_ =	swait.ge [sflag:s9], $0xC8  }
0x47: {  	[sflag:s9] =	ssyncset.done $0x0  }
0x48: {  	[sflag:s9] =	ssyncadd.s32 $0xFFFFFF38  }
0x49: {  	[tilespmem:s12], [sflag:$0x1] =	stream.indirect.gather [hbm4b:s3+s11], $0x80, s2, s11, $0xb8;
	[tilespmem:$0xCA00] =	vst v63  }
0x4a: {  	_ = 	snop  }
0x4b: {  	[tilespmem:s13], [sflag:$0x2] =	stream.indirect.gather [hbm4b:s3+s11], $0x80, s10, s11, $0xb8;
	[tilespmem:$0xCA00] =	vst v63  }
0x4c: {  	_ =	swait.ge [sflag:s14], $0x6400  }
0x4d: {  	[sflag:s14] =	ssyncset.done $0x0  }
0x4e: {  	[sflag:s14] =	ssyncadd.s32 $0xFFFF9C00  }
0x4f: {  	_ =	swait.ge [sflag:s15], $0x6400  }
0x50: {  	[sflag:s15] =	ssyncset.done $0x0  }
0x51: {  	[sflag:s15] =	ssyncadd.s32 $0xFFFF9C00  }
0x52: {  	[hbm4b:s18+s2] =	stream.linear.scatter [tilespmem:s12], [sflag:$0x3], $0x6400, $0x38;
	[tilespmem:$0xCA00] =	vst v63  }
0x53: {  	s16 =	sadd.s32 $0x1, s16;
	_ =	swait.ge [sflag:s9], $0x6400  }
0x54: {  	p0 =	sne.s32 s16, s5;
	[sflag:s9] =	ssyncset.done $0x0  }
.Ltmp1:
0x55: {  	[sflag:s9] =	ssyncadd.s32 $0xFFFF9C00;
	(pc) =	sbr.rel @p0 .LBB2_1-.Ltmp1, $4  }
0x56: {  	[hbm4b:s17+s2] =	stream.linear.scatter [tilespmem:s13], [sflag:$0x3], $0x6400, $0x38;
	[tilespmem:$0xCA00] =	vst v63  }
0x57: {  	_ =	swait.ge [sflag:s9], $0x6400  }
0x58: {  	[sflag:s9] =	ssyncset.done $0x0  }
0x59: {  	[sflag:s9] =	ssyncadd.s32 $0xFFFF9C00  }
0x5a: {  	_ =	sfence.sel $0x180000  }
0x5b: {  	[bflag:$0x0] =	sbarrier.arrive $0xFFFF  }
0x5c: {  	p0 =	sne.s32 s0, $0x0;
	_ =	strace $0x90000047  }
0x5d: {  	s0 =	sadd.s32 @!p0 $0x100000, s1;
	[bflag:$0x2] =	sbarrier.arrive $0xFFFF  }
0x5e: {  	[sflag:s0] =	ssyncadd.tile.s32 @!p0 $0x1;
	_ =	shalt  }
.Lfunc_end2:
_tile_overlayer_lowered:
.L_overlay_start_2:
0x5f: {  	(tag) =	ssettag $0x2  }
0x60: {  	s0 =	rddreg [dreg:$0x0];
	s2 =	stileid.u32  }
0x61: {  	s1 =	rddreg [dreg:$0x1];
	p0 =	sne.s32 s2, $0x0  }
0x62: {  	s3 =	rddreg [dreg:$0x2];
	[bflag:$0x3] =	sbarrier.arrive $0xFFFF;
	s2 =	simm.s32 @!p0 $0x1C03  }
0x63: {  	[timem:s3], [sflag:s2] =	dma.local @!p0 [hbm:s0], s1  }
0x64: {  	s0 =	simm.s32 @!p0 $0x3  }
0x65: {  	_ =	swait.ge @!p0 [sflag:s0], s1  }
0x66: {  	s1 =	ssub.s32 @!p0 $0x0, s1;
	[sflag:s0] =	ssyncset.done @!p0 $0x0  }
0x67: {  	[sflag:s0] =	ssyncadd.s32 @!p0 s1  }
0x68: {  	[bflag:$0x3] =	sbarrier.arrive $0xFFFF  }
0x69: {  	_ =	shalt  }

// kernel: kernel.8.cloned.1.call-start
scs
__scs_entry_jumppad:
0x0: {  	(pc) =	sbr.rel $0x88, $3  }
0x1: {  	(tag) =	ssettag $0x0;
	lr =	simm.s32 $0x1  }
0x2: {  	[smem:$0x3F67] =	sst lr;
	_ =	strace $0xD0000000  }
0x3: {  	_ = 	snop  }
0x4: {  	_ = 	snop  }
0x5: {  	_ = 	snop  }
0x6: {  	_ = 	snop  }
0x7: {  	_ = 	snop  }
__scs_overlays_trampoline_lowered:
0x8: {  	[smem:$0x3F76] =	sst s0  }
0x9: {  	[smem:$0x3F77] =	sst s1  }
0xa: {  	[smem:$0x3F78] =	sst s2  }
0xb: {  	[smem:$0x3F79] =	sst s3  }
0xc: {  	[smem:$0x3F7A] =	sst s4  }
0xd: {  	[smem:$0x3F7B] =	sst s5  }
0xe: {  	[smem:$0x3F7C] =	sst s6  }
0xf: {  	[smem:$0x3F7D] =	sst s7  }
0x10: {  	[smem:$0x3F7E] =	sst s8  }
0x11: {  	[smem:$0x3F7F] =	sst s9;
	s0 =	simm.s32 @!p0 $0x0  }
0x12: {  	s1 =	sld [smem:$0x3F65];
	s0 =	simm.s32 @p0 $0x1  }
0x13: {  	[smem:$0x3F80] =	sst s0;
	s0 =	simm.s32 @!p1 $0x0  }
0x14: {  	s2 =	sld [smem:$0x3F64];
	s0 =	simm.s32 @p1 $0x1  }
0x15: {  	[smem:$0x3F81] =	sst s0;
	s0 =	simm.s32 @!p2 $0x0  }
0x16: {  	s3 =	sld [smem:$0x3FDB];
	s0 =	simm.s32 @p2 $0x1  }
0x17: {  	s4 =	simm.s32 $0x1BF5;
	[smem:$0x3F83] =	sst s0  }
0x18: {  	s0 =	sld [smem:$0x3F66];
	_ =	swait.ge [sflag:s4], $0x0  }
0x19: {  	s7 =	sld [smem:$0x3F67]  }
0x1a: {  	s8 =	sadd.s32 $0xFFFFE003, lr  }
0x1b: {  	s9 =	sadd.s32 $0xFFFFFEF7, lr;
	s5 =	simm.s32 $0xFFFFFFFF;
	p2 =	slt.u32 s8, $0xFFFFF086  }
0x1c: {  	p1 =	slt.u32 s9, $0xF7A;
	s5 =	simm.s32 @!p2 $0x0  }
0x1d: {  	s5 =	simm.s32 @p1 $0x1;
	p0 =	seq.s32 s7, s2  }
0x1e: {  	s7 =	smul.u32 @!p0 $0xF7A, s2;
	p2 =	seq.s32 @!p0 s5, $0x0  }
0x1f: {  	s9 =	smul.u32 $0xF7A, s1;
	s8 =	simm.s32 @!p0 $0x1BF5;
	p2 =	por !p2, p0  }
0x20: {  	[sflag:s8] =	ssyncset.s32 @!p0 $0xFFFFF086;
	s6 =	sadd.s32 @!p0 s3, s7;
	s7 =	simm.s32 @!p0 $0x108  }
0x21: {  	s3 =	sadd.s32 s3, s9;
	s6 =	sadd.s32 @!p0 $0x88, s6;
	s7 =	simm.s32 @p2 $0x1082  }
0x22: {  	[simem:s7], [sflag:s8] =	dma.local @!p0 [hbm:s6], $0xF7A  }
0x23: {  	s9 =	sor.u32 $0xD0000000, s2;
	s6 =	simm.s32 $0x108;
	_ =	swait.ge @!p0 [sflag:s8], $0x0  }
0x24: {  	s3 =	sadd.s32 $0x88, s3;
	s6 =	simm.s32 @!p1 $0x1082;
	[sflag:s4] =	ssyncset.s32 $0xFFFFF086  }
0x25: {  	[simem:s6], [sflag:s4] =	dma.local [hbm:s3], $0xF7A  }
0x26: {  	[smem:$0x3F67] =	sst s1;
	(tag) =	ssettag s2;
	_ =	strace s9  }
0x27: {  	s1 =	sld [smem:$0x3F77]  }
0x28: {  	s2 =	sld [smem:$0x3F78]  }
0x29: {  	s4 =	sld [smem:$0x3F7A]  }
0x2a: {  	p0 =	seq.s32 s5, $0x0;
	s5 =	sld [smem:$0x3F7B]  }
0x2b: {  	s6 =	sld [smem:$0x3F7C]  }
0x2c: {  	s7 =	sld [smem:$0x3F7D]  }
0x2d: {  	s3 =	simm.s32 $0x108;
	s8 =	sld [smem:$0x3F7E]  }
0x2e: {  	s3 =	simm.s32 @!p0 $0x1082;
	s9 =	sld [smem:$0x3F7F]  }
0x2f: {  	lr =	sadd.s32 s0, s3;
	s0 =	sld [smem:$0x3F76]  }
0x30: {  	s3 =	sld [smem:$0x3F79]  }
0x31: {  	[smem:$0x3F82] =	sst s10  }
0x32: {  	s10 =	sld [smem:$0x3F80];
	_ =	sdelay $0x3  }
0x33: {  	p0 =	seq.s32 s10, $0x1;
	s10 =	sld [smem:$0x3F82];
	_ =	sdelay $0x3  }
0x34: {  	[smem:$0x3F82] =	sst s10  }
0x35: {  	s10 =	sld [smem:$0x3F81];
	_ =	sdelay $0x3  }
0x36: {  	p1 =	seq.s32 s10, $0x1;
	s10 =	sld [smem:$0x3F82];
	_ =	sdelay $0x3  }
0x37: {  	[smem:$0x3F82] =	sst s10  }
0x38: {  	s10 =	sld [smem:$0x3F83]  }
0x39: {  	_ = 	snop;
	(pc) =	sbr.ind lr, $3  }
0x3a: {  	_ = 	snop  }
0x3b: {  	_ = 	snop  }
0x3c: {  	p2 =	seq.s32 s10, $0x1;
	s10 =	sld [smem:$0x3F82]  }
0x3d: {  	_ =	shalt  }
0x3e: {  	_ =	shalt  }
0x3f: {  	_ =	shalt  }
0x40: {  	_ =	shalt  }
0x41: {  	_ =	shalt  }
0x42: {  	_ =	shalt  }
0x43: {  	_ =	shalt  }
0x44: {  	_ =	shalt  }
0x45: {  	_ =	shalt  }
0x46: {  	_ =	shalt  }
0x47: {  	_ =	shalt  }
0x48: {  	_ =	shalt  }
0x49: {  	_ =	shalt  }
0x4a: {  	_ =	shalt  }
0x4b: {  	_ =	shalt  }
0x4c: {  	_ =	shalt  }
0x4d: {  	_ =	shalt  }
0x4e: {  	_ =	shalt  }
0x4f: {  	_ =	shalt  }
0x50: {  	_ =	shalt  }
0x51: {  	_ =	shalt  }
0x52: {  	_ =	shalt  }
0x53: {  	_ =	shalt  }
0x54: {  	_ =	shalt  }
0x55: {  	_ =	shalt  }
0x56: {  	_ =	shalt  }
0x57: {  	_ =	shalt  }
0x58: {  	_ =	shalt  }
0x59: {  	_ =	shalt  }
0x5a: {  	_ =	shalt  }
0x5b: {  	_ =	shalt  }
0x5c: {  	_ =	shalt  }
0x5d: {  	_ =	shalt  }
0x5e: {  	_ =	shalt  }
0x5f: {  	_ =	shalt  }
0x60: {  	_ =	shalt  }
0x61: {  	_ =	shalt  }
0x62: {  	_ =	shalt  }
0x63: {  	_ =	shalt  }
0x64: {  	_ =	shalt  }
0x65: {  	_ =	shalt  }
0x66: {  	_ =	shalt  }
0x67: {  	_ =	shalt  }
0x68: {  	_ =	shalt  }
0x69: {  	_ =	shalt  }
0x6a: {  	_ =	shalt  }
0x6b: {  	_ =	shalt  }
0x6c: {  	_ =	shalt  }
0x6d: {  	_ =	shalt  }
0x6e: {  	_ =	shalt  }
0x6f: {  	_ =	shalt  }
0x70: {  	_ =	shalt  }
0x71: {  	_ =	shalt  }
0x72: {  	_ =	shalt  }
0x73: {  	_ =	shalt  }
0x74: {  	_ =	shalt  }
0x75: {  	_ =	shalt  }
0x76: {  	_ =	shalt  }
0x77: {  	_ =	shalt  }
0x78: {  	_ =	shalt  }
0x79: {  	_ =	shalt  }
0x7a: {  	_ =	shalt  }
0x7b: {  	_ =	shalt  }
0x7c: {  	_ =	shalt  }
0x7d: {  	_ =	shalt  }
0x7e: {  	_ =	shalt  }
0x7f: {  	_ =	shalt  }
0x80: {  	_ =	shalt  }
0x81: {  	_ =	shalt  }
0x82: {  	_ =	shalt  }
0x83: {  	_ =	shalt  }
0x84: {  	_ =	shalt  }
0x85: {  	_ =	shalt  }
0x86: {  	_ =	shalt  }
0x87: {  	_ =	shalt  }
.Lfunc_end0:
.L_simem_size_0:
called_computation.1_lowered:
.L_overlay_start_0:
0x88: {  	s2 =	sld [smem:$0x3FD9]  }
0x89: {  	s3 =	sld [smem:$0x3FFE];
	_ =	sdelay $0x1  }
0x8a: {  	s1 =	srdreg.scid  }
0x8b: {  	s0 =	sand.u32 $0x1, s1  }
0x8c: {  	s16 =	sshll.u32 s0, $0xA;
	s2 =	sadd.s32 s3, s2  }
0x8d: {  	s2 =	sadd.s32 s2, s16  }
0x8e: {  	[smem:$0x3F8E] =	sst s2  }
0x8f: {  	_ = 	snop  }
0x90: {  	(tm) =	ssettm $0x1  }
0x91: {  	s17 =	sld [smem:$0x3FFB];
	_ =	sdelay $0x3  }
0x92: {  	_ =	strace s17  }
0x93: {  	s2 =	sld [smem:$0x3FFC];
	_ =	sdelay $0x3  }
0x94: {  	_ =	strace s2  }
0x95: {  	s2 =	sld [smem:$0x3FFD];
	_ =	sdelay $0x3  }
0x96: {  	_ =	strace s2  }
0x97: {  	_ =	strace $0x8FFFFFFF  }
0x98: {  	s18 =	sld [smem:$0x3FDB];
	_ =	sdelay $0x1  }
0x99: {  	s19 =	simm.s32 $_scs_section_size  }
0x9a: {  	s4 =	simm.s32 $_size__tile_overlayer_lowered;
	s5 =	simm.s32 $_tile_overlayer_lowered  }
0x9b: {  	s22 =	simm.s32 $0x1BFF;
	s21 =	sshll.u32 s5, $0x1;
	s2 =	sadd.s32 s19, s18  }
0x9c: {  	s6 =	simm.s32 $0x0;
	s20 =	sshll.u32 s4, $0x1;
	s4 =	sadd.s32 s21, s2  }
0x9d: {  	[timem:s6], [sflag:s22] =	dma.local [hbm:s4], s20  }
0x9e: {  	_ =	swait.ge [sflag:s22], s20  }
0x9f: {  	s3 =	ssub.s32 $0x0, s20;
	[sflag:s22] =	ssyncset.done $0x0  }
0xa0: {  	[sflag:s22] =	ssyncadd.s32 s3;
	_ =	sdelay $0x1  }
0xa1: {  	s23 =	simm.s32 $0x1B8B  }
0xa2: {  	_ =	swait.ge [sflag:s23], $0x1  }
0xa3: {  	[sflag:s23] =	ssyncset.done $0x0  }
0xa4: {  	s25 =	simm.s32 $0x1B8E;
	s24 =	sld [smem:$0x3FFE];
	[sflag:s23] =	ssyncadd.s32 $0xFFFFFFFF  }
0xa5: {  	s26 =	simm.s32 $execute0_lowered;
	[smem:$0x3FD2] =	sst s25  }
0xa6: {  	s4 =	sshll.u32 s26, $0x1;
	_ =	strace $0x80000049;
	[dreg:$0x1] =	wrdreg $0xFFFFFFFF  }
0xa7: {  	s28 =	simm.s32 $_size_execute0_lowered;
	s2 =	sadd.s32 s2, s4;
	[dreg:$0x0] =	wrdreg $0x0  }
0xa8: {  	s4 =	sshll.u32 s28, $0x1;
	[dreg:$0x2] =	wrdreg s2  }
0xa9: {  	[dreg:$0x3] =	wrdreg s4  }
0xaa: {  	[dreg:$0x4] =	wrdreg $0xC0  }
0xab: {  	_ =	task [dreg:s6], $0x5FFFF  }
0xac: {  	[dreg:$0x1] =	wrdreg $0xFFFFFFFF  }
0xad: {  	[dreg:$0x0] =	wrdreg $0x60  }
0xae: {  	[dreg:$0x2] =	wrdreg s24  }
0xaf: {  	[dreg:$0x3] =	wrdreg $0x40800  }
0xb0: {  	[dreg:$0x4] =	wrdreg $0x9  }
0xb1: {  	_ =	task.clear_ibuf [dreg:s6], $0x5FFFF;
	_ =	strace $0x90000049  }
0xb2: {  	s29 =	simm.s32 $0x9;
	_ =	strace $0x8000004B  }
0xb3: {  	_ =	swait.ge [sflag:s29], $0x1  }
0xb4: {  	[sflag:s29] =	ssyncadd.s32 $0xFFFFFFFF  }
0xb5: {  	_ =	strace $0x9000004B  }
0xb6: {  	_ =	sfence  }
0xb7: {  	s30 =	sld [smem:$0x0];
	_ =	sdelay $0x2  }
0xb8: {  	s31 =	sshll.u32 s1, $0xD;
	s1 =	sshrl.u32 s1, $0x2  }
0xb9: {  	s3 =	sand.u32 $0x4000, s31;
	s1 =	sadd.s32 s1, s30  }
0xba: {  	s0 =	sor.u32 s3, s0;
	s1 =	sshll.u32 s1, $0x11  }
0xbb: {  	s0 =	sor.u32 s1, s0  }
0xbc: {  	s0 =	sadd.s32 $0x8F2B, s0  }
0xbd: {  	[sflag:s0] =	ssyncadd.remote.s32 $0x1  }
0xbe: {  	_ =	sfence.sel $0xFFFF  }
0xbf: {  	[dreg:$0x0] =	wrdreg $0xFFFFFFFF;
	(pc) =	sbr.abs _section_cstart, $3  }
0xc0: {  	[dreg:$0x1] =	wrdreg $0xFFFFFFFF  }
0xc1: {  	_ =	task.clear_ibuf [dreg:s6], $0x2FFFF;
	_ =	strace $0x9FFFFFFF  }
0xc2: {  	(tm) =	ssettm $0x7FFFFFFF  }
0xc3: {  	_ =	shalt  }
tec
execute0_lowered:
.L_overlay_start_1:
0x0: {  	(tag) =	ssettag $0x1  }
0x1: {  	s5 =	rddreg [dreg:$0x0]  }
0x2: {  	s2 =	rddreg [dreg:$0x1]  }
0x3: {  	s0 =	rddreg [dreg:$0x2];
	s1 =	stileid.u32  }
0x4: {  	s3 =	simm.s32 $0x0;
	s7 =	srdreg.scid;
	s4 =	smul.u32 $0xC3800, s1  }
0x5: {  	s19 =	simm.s32 $0x1;
	s21 =	simm.s32 $0x4000;
	s6 =	smul.u32 $0x1870, s1  }
0x6: {  	[smem:$0x7FF] =	sst s3;
	s7 =	sand.u32 $0x1, s7;
	s9 =	smul.u32 $0x310, s1  }
0x7: {  	s10 =	sadd.s32 $0x3B400, s5;
	s26 =	smul.u32 $0x62000, s1;
	s23 =	sor.u32 $0x30E0, s1  }
0x8: {  	s28 =	sshll.u32 s1, $0x6;
	s31 =	smul.u32 $0x64000, s1;
	p0 =	seq.s32 s1, $0xF  }
0x9: {  	_ =	strace $0x8000004A;
	s25 =	ssub.s32 $0x2, s7;
	s22 =	smul.u32 $0x30E0, s7  }
0xa: {  	s13 =	smul.u32 $0x187000, s7;
	v1 =	vmov s23;
	s23 =	simm.s32 $0x1FC1;
	s16 =	sadd.s32 s4, s5  }
0xb: {  	s17 =	sadd.s32 s6, s5;
	s4 =	sadd.s32 $0xA400, s5;
	s8 =	sshrl.u32 s25, $0x1  }
0xc: {  	s11 =	sshrl.u32 s26, $0x2;
	s5 =	sor.u32 $0x1C01, s28;
	s12 =	ssub.s32 s25, s8  }
0xd: {  	s29 =	sadd.s32 s9, s22;
	s6 =	sadd.s32 s11, s2;
	s30 =	sshrl.u32 s13, $0x3  }
0xe: {  	s24 =	sadd.s32 $0x61C0, s22;
	s13 =	sshrl.u32 s31, $0x2;
	s16 =	sadd.s32 $0x2724600, s16  }
0xf: {  	s17 =	sadd.s32 $0x22C00, s17;
	v0 =	vmov s22;
	s22 =	simm.s32 $0x80;
	s8 =	sshll.u32 s29, $0x4  }
0x10: {  	s11 =	sadd.s32 s10, s30;
	s14 =	sadd.s32 s9, s24;
	s18 =	sadd.s32 s13, s2  }
.Ltmp0:
0x11: {  	s12 =	smax.u32 s12, $0x1;
	v2 =	vmov s24;
	s24 =	simm.s32 $0x0;
	(pc) =	sbr.rel .LBB2_1-.Ltmp0, $4  }
0x12: {  	s7 =	sadd.s32 s10, s8;
	s8 =	sadd.s32 $0x16F800, s2;
	s9 =	sadd.s32 $0x2DF00, s11  }
0x13: {  	s14 =	sshll.u32 s14, $0x4;
	s11 =	sadd.s32 $0x8FB00, s11;
	s20 =	sadd.s32 $0x5000, s18  }
0x14: {  	s13 =	sadd.s32 $0xA000, s18;
	s15 =	sadd.s32 $0x14000, s18;
	s10 =	sadd.s32 s10, s14  }
0x15: {  	s14 =	sadd.s32 $0xF000, s18;
	s18 =	sshrl.u32 s18, $0x3;
	s20 =	sshrl.u32 s20, $0x3  }
.LBB2_14:
0x16: {  	v9 =	vld [tilespmem:$0x4050];
	vm0 =	vlt.u32 v8, $0x30E0;
	v7 =	vsub.s32 v7, v2  }
0x17: {  	v10 =	vld [tilespmem:$0x4010];
	v6 =	vsub.s32 v6, v2;
	v8 =	vsel vm0, v8, v1;
	vm10 =	vlt.u32 v7, $0x30E0  }
0x18: {  	v5 =	vsub.s32 v5, v2;
	vm11 =	vlt.u32 v6, $0x30E0;
	[tilespmem:$0x4020] =	vst v8;
	v7 =	vsel vm10, v7, v1  }
0x19: {  	v4 =	vsub.s32 v4, v2;
	vm1 =	vlt.u32 v5, $0x30E0;
	v6 =	vsel vm11, v6, v1;
	[tilespmem:$0x4060] =	vst v7  }
0x1a: {  	v3 =	vsub.s32 v3, v2;
	vm12 =	vlt.u32 v4, $0x30E0;
	v5 =	vsel vm1, v5, v1;
	[tilespmem:$0x4070] =	vst v6  }
0x1b: {  	vm15 =	vlt.u32 v3, $0x30E0;
	v4 =	vsel vm12, v4, v1;
	[tilespmem:$0x4040] =	vst v5;
	v60 =	vsub.s32 v9, v2  }
0x1c: {  	v3 =	vsel vm15, v3, v1;
	[tilespmem:$0x4000] =	vst v4;
	v61 =	vsub.s32 v10, v2;
	vm13 =	vlt.u32 v60, $0x30E0  }
0x1d: {  	[tilespmem:$0x4030] =	vst v3;
	vm14 =	vlt.u32 v61, $0x30E0;
	v62 =	vsel vm13, v60, v1  }
0x1e: {  	v63 =	vsel vm14, v61, v1;
	[tilespmem:$0x4050] =	vst v62  }
0x1f: {  	[tilespmem:$0x4010] =	vst v63  }
0x20: {  	[spmem:s2] =	stream.indirect.scatter.add.f32 [tilespmem:s3], [sflag:$0x1], $0x80, s21, s22, $0xb8;
	[tilespmem:$0x1D080] =	vst v63  }
0x21: {  	_ =	swait.ge [sflag:s19], $0x4000  }
0x22: {  	[sflag:s19] =	ssyncset.done $0x0  }
0x23: {  	[sflag:s19] =	ssyncadd.s32 $0xFFFFC000  }
0x24: {  	s25 =	sshrl.u32 s8, $0x3;
	[bflag:$0x0] =	sbarrier.arrive $0xFFFF  }
0x25: {  	[hbm:s11], [sflag:s23] =	dma.local [spmem:s25], $0x2F00  }
0x26: {  	_ =	swait.ge [sflag:s19], $0x2F00  }
0x27: {  	[sflag:s19] =	ssyncset.done $0x0  }
0x28: {  	[sflag:s19] =	ssyncadd.s32 $0xFFFFD100  }
.LBB2_15:
0x29: {  	s24 =	sadd.s32 $0x1, s24  }
0x2a: {  	p1 =	sne.s32 s24, s12  }
.Ltmp1:
0x2b: {  	_ = 	snop;
	(pc) =	sbr.rel @!p1 .LBB2_16-.Ltmp1, $2  }
0x2c: {  	_ =	sdelay $0x1  }
0x2d: {  	[bflag:$0x0] =	sbarrier.arrive $0xFFFF;
	_ =	sdelay $0x1  }
.LBB2_1:
0x2e: {  	[spmem:s18], [sflag:s5] =	dma.local [hbm:s4], $0xA00  }
0x2f: {  	_ =	swait.ge [sflag:s19], $0xA00  }
0x30: {  	[sflag:s19] =	ssyncset.done $0x0  }
0x31: {  	[sflag:s19] =	ssyncadd.s32 $0xFFFFF600  }
0x32: {  	[spmem:s20], [sflag:s5] =	dma.local [hbm:s4], $0xA00  }
0x33: {  	_ =	swait.ge [sflag:s19], $0xA00  }
0x34: {  	[sflag:s19] =	ssyncset.done $0x0  }
0x35: {  	s25 =	sshrl.u32 s13, $0x3;
	[sflag:s19] =	ssyncadd.s32 $0xFFFFF600  }
0x36: {  	[spmem:s25], [sflag:s5] =	dma.local [hbm:s4], $0xA00  }
0x37: {  	_ =	swait.ge [sflag:s19], $0xA00  }
0x38: {  	[sflag:s19] =	ssyncset.done $0x0  }
0x39: {  	s26 =	sshrl.u32 s14, $0x3;
	[sflag:s19] =	ssyncadd.s32 $0xFFFFF600  }
0x3a: {  	[spmem:s26], [sflag:s5] =	dma.local [hbm:s4], $0xA00  }
0x3b: {  	_ =	swait.ge [sflag:s19], $0xA00  }
0x3c: {  	[sflag:s19] =	ssyncset.done $0x0  }
0x3d: {  	s28 =	sshrl.u32 s15, $0x3;
	[sflag:s19] =	ssyncadd.s32 $0xFFFFF600  }
0x3e: {  	[spmem:s28], [sflag:s5] =	dma.local [hbm:s4], $0xA00  }
.Ltmp2:
0x3f: {  	_ =	swait.ge [sflag:s19], $0xA00;
	(pc) =	sbr.rel @!p0 .LBB2_2-.Ltmp2, $4  }
0x40: {  	[sflag:s19] =	ssyncset.done $0x0  }
0x41: {  	[sflag:s19] =	ssyncadd.s32 $0xFFFFF600  }
0x42: {  	[bflag:$0x0] =	sbarrier.arrive $0xFFFF  }
0x43: {  	s29 =	sadd.s32 $0x0, s17  }
0x44: {  	[tilespmem:s21], [sflag:$0x1] =	stream.linear.gather [hbm4b:s29+s3], $0x80, $0x38;
	[tilespmem:$0x1D080] =	vst v63  }
0x45: {  	_ =	swait.ge [sflag:s19], $0x80  }
0x46: {  	[sflag:s19] =	ssyncset.done $0x0  }
0x47: {  	[sflag:s19] =	ssyncadd.s32 $0xFFFFFF80  }
0x48: {  	[tilespmem:s3], [sflag:$0x1] =	stream.linear.gather [hbm4b:s16+s3], $0x4000, $0x38;
	[tilespmem:$0x1D080] =	vst v63  }
0x49: {  	_ =	swait.ge [sflag:s19], $0x4000  }
0x4a: {  	[sflag:s19] =	ssyncset.done $0x0  }
0x4b: {  	[sflag:s19] =	ssyncadd.s32 $0xFFFFC000  }
0x4c: {  	v8 =	vld [tilespmem:$0x4020]  }
0x4d: {  	v3 =	vld [tilespmem:$0x4030]  }
0x4e: {  	v7 =	vld [tilespmem:$0x4060]  }
0x4f: {  	v6 =	vld [tilespmem:$0x4070]  }
0x50: {  	v5 =	vld [tilespmem:$0x4040]  }
0x51: {  	s29 =	simm.s32 $0x10;
	s30 =	smov.u32 s16;
	v4 =	vld [tilespmem:$0x4000];
	v8 =	vsub.s32 v8, v0  }
.LBB2_6:
0x52: {  	p1 =	sne.s32 s29, $0x1800  }
0x53: {  	vm0 =	vlt.u32 v8, $0x30E0;
	v9 =	vld [tilespmem:$0x4050];
	s30 =	sadd.s32 $0x800, s30;
	s31 =	smov.u32 s29;
	s29 =	sadd.s32 $0x10, s29  }
0x54: {  	v8 =	vsel vm0, v8, v1;
	v7 =	vsub.s32 v7, v0  }
0x55: {  	v10 =	vld [tilespmem:$0x4010];
	vm0 =	vlt.u32 v7, $0x30E0;
	v6 =	vsub.s32 v6, v0  }
0x56: {  	[tilespmem:$0x4020] =	vst v8;
	v5 =	vsub.s32 v5, v0;
	v7 =	vsel vm0, v7, v1;
	vm0 =	vlt.u32 v6, $0x30E0  }
0x57: {  	vm1 =	vlt.u32 v5, $0x30E0;
	[tilespmem:$0x4060] =	vst v7;
	v6 =	vsel vm0, v6, v1  }
0x58: {  	v4 =	vsub.s32 v4, v0;
	v5 =	vsel vm1, v5, v1;
	v7 =	vsub.s32 v9, v0;
	[tilespmem:$0x4070] =	vst v6  }
0x59: {  	vm0 =	vlt.u32 v4, $0x30E0;
	[tilespmem:$0x4040] =	vst v5;
	vm1 =	vlt.u32 v7, $0x30E0  }
0x5a: {  	v4 =	vsel vm0, v4, v1;
	v5 =	vsub.s32 v10, v0;
	v6 =	vsel vm1, v7, v1  }
0x5b: {  	v3 =	vsub.s32 v3, v0;
	[tilespmem:$0x4000] =	vst v4;
	vm0 =	vlt.u32 v5, $0x30E0  }
0x5c: {  	v4 =	vsel vm0, v5, v1;
	vm0 =	vlt.u32 v3, $0x30E0;
	[tilespmem:$0x4050] =	vst v6  }
0x5d: {  	[tilespmem:$0x4010] =	vst v4;
	v3 =	vsel vm0, v3, v1  }
0x5e: {  	[tilespmem:$0x4030] =	vst v3  }
0x5f: {  	[spmem:s2] =	stream.indirect.scatter.add.f32 [tilespmem:s3], [sflag:$0x1], $0x80, s21, s22, $0xb8;
	[tilespmem:$0x1D080] =	vst v63  }
0x60: {  	_ =	swait.ge [sflag:s19], $0x4000  }
0x61: {  	[sflag:s19] =	ssyncset.done $0x0  }
0x62: {  	s31 =	sadd.s32 s31, s17;
	[sflag:s19] =	ssyncadd.s32 $0xFFFFC000  }
0x63: {  	[tilespmem:s21], [sflag:$0x1] =	stream.linear.gather [hbm4b:s31+s3], $0x80, $0x38;
	[tilespmem:$0x1D080] =	vst v63  }
0x64: {  	_ =	swait.ge [sflag:s19], $0x80  }
0x65: {  	[sflag:s19] =	ssyncset.done $0x0  }
0x66: {  	[sflag:s19] =	ssyncadd.s32 $0xFFFFFF80  }
0x67: {  	[tilespmem:s3], [sflag:$0x1] =	stream.linear.gather [hbm4b:s30+s3], $0x4000, $0x38;
	[tilespmem:$0x1D080] =	vst v63  }
0x68: {  	_ =	swait.ge [sflag:s19], $0x4000  }
0x69: {  	[sflag:s19] =	ssyncset.done $0x0  }
0x6a: {  	[sflag:s19] =	ssyncadd.s32 $0xFFFFC000  }
0x6b: {  	v8 =	vld [tilespmem:$0x4020]  }
.Ltmp3:
0x6c: {  	v3 =	vld [tilespmem:$0x4030];
	(pc) =	sbr.rel @p1 .LBB2_6-.Ltmp3, $4  }
0x6d: {  	v7 =	vld [tilespmem:$0x4060]  }
0x6e: {  	v6 =	vld [tilespmem:$0x4070]  }
0x6f: {  	v5 =	vld [tilespmem:$0x4040]  }
0x70: {  	v4 =	vld [tilespmem:$0x4000];
	v8 =	vsub.s32 v8, v0  }
0x71: {  	v9 =	vld [tilespmem:$0x4050];
	vm0 =	vlt.u32 v8, $0x30E0;
	v3 =	vsub.s32 v3, v0  }
0x72: {  	v10 =	vld [tilespmem:$0x4010];
	v7 =	vsub.s32 v7, v0;
	v8 =	vsel vm0, v8, v1;
	vm15 =	vlt.u32 v3, $0x30E0  }
0x73: {  	vm10 =	vlt.u32 v7, $0x30E0;
	v6 =	vsub.s32 v6, v0;
	[tilespmem:$0x4020] =	vst v8;
	v3 =	vsel vm15, v3, v1  }
0x74: {  	v5 =	vsub.s32 v5, v0;
	v7 =	vsel vm10, v7, v1;
	vm11 =	vlt.u32 v6, $0x30E0;
	[tilespmem:$0x4030] =	vst v3  }
0x75: {  	vm1 =	vlt.u32 v5, $0x30E0;
	[tilespmem:$0x4060] =	vst v7;
	v6 =	vsel vm11, v6, v1;
	v4 =	vsub.s32 v4, v0  }
0x76: {  	v5 =	vsel vm1, v5, v1;
	v60 =	vsub.s32 v9, v0;
	[tilespmem:$0x4070] =	vst v6;
	vm12 =	vlt.u32 v4, $0x30E0  }
0x77: {  	v61 =	vsub.s32 v10, v0;
	[tilespmem:$0x4040] =	vst v5;
	vm13 =	vlt.u32 v60, $0x30E0;
	v4 =	vsel vm12, v4, v1  }
0x78: {  	vm14 =	vlt.u32 v61, $0x30E0;
	v62 =	vsel vm13, v60, v1;
	[tilespmem:$0x4000] =	vst v4  }
0x79: {  	v63 =	vsel vm14, v61, v1;
	[tilespmem:$0x4050] =	vst v62  }
0x7a: {  	[tilespmem:$0x4010] =	vst v63  }
0x7b: {  	[spmem:s2] =	stream.indirect.scatter.add.f32 [tilespmem:s3], [sflag:$0x1], $0x80, s21, s22, $0xb8;
	[tilespmem:$0x1D080] =	vst v63  }
0x7c: {  	_ =	swait.ge [sflag:s19], $0x4000  }
0x7d: {  	[sflag:s19] =	ssyncset.done $0x0  }
0x7e: {  	[sflag:s19] =	ssyncadd.s32 $0xFFFFC000  }
.Ltmp4:
0x7f: {  	s29 =	sshrl.u32 s8, $0x3;
	[bflag:$0x0] =	sbarrier.arrive $0xFFFF;
	(pc) =	sbr.rel .LBB2_8-.Ltmp4, $4  }
0x80: {  	[hbm:s9], [sflag:s23] =	dma.local [spmem:s29], $0x2F00  }
0x81: {  	_ =	swait.ge [sflag:s19], $0x2F00  }
0x82: {  	[sflag:s19] =	ssyncset.done $0x0  }
0x83: {  	[sflag:s19] =	ssyncadd.s32 $0xFFFFD100  }
.LBB2_2:
0x84: {  	[tilespmem:s21], [sflag:$0x1] =	stream.linear.gather [hbm4b:s29+s3], $0x80, $0x38;
	[tilespmem:$0x1D080] =	vst v63  }
0x85: {  	_ =	swait.ge [sflag:s19], $0x80  }
0x86: {  	[sflag:s19] =	ssyncset.done $0x0  }
0x87: {  	[sflag:s19] =	ssyncadd.s32 $0xFFFFFF80  }
0x88: {  	[tilespmem:s3], [sflag:$0x1] =	stream.linear.gather [hbm4b:s16+s3], $0x4000, $0x38;
	[tilespmem:$0x1D080] =	vst v63  }
0x89: {  	_ =	swait.ge [sflag:s19], $0x4000  }
0x8a: {  	[sflag:s19] =	ssyncset.done $0x0  }
0x8b: {  	[sflag:s19] =	ssyncadd.s32 $0xFFFFC000  }
0x8c: {  	v8 =	vld [tilespmem:$0x4020]  }
0x8d: {  	v3 =	vld [tilespmem:$0x4030]  }
0x8e: {  	v7 =	vld [tilespmem:$0x4060]  }
0x8f: {  	v6 =	vld [tilespmem:$0x4070]  }
0x90: {  	v5 =	vld [tilespmem:$0x4040]  }
0x91: {  	s29 =	simm.s32 $0x10;
	s30 =	smov.u32 s16;
	v4 =	vld [tilespmem:$0x4000];
	v8 =	vsub.s32 v8, v0  }
.LBB2_3:
0x92: {  	p1 =	sne.s32 s29, $0x1860  }
0x93: {  	vm0 =	vlt.u32 v8, $0x30E0;
	v9 =	vld [tilespmem:$0x4050];
	s30 =	sadd.s32 $0x800, s30;
	s31 =	smov.u32 s29;
	s29 =	sadd.s32 $0x10, s29  }
0x94: {  	v8 =	vsel vm0, v8, v1;
	v7 =	vsub.s32 v7, v0  }
0x95: {  	v10 =	vld [tilespmem:$0x4010];
	vm0 =	vlt.u32 v7, $0x30E0;
	v6 =	vsub.s32 v6, v0  }
0x96: {  	[tilespmem:$0x4020] =	vst v8;
	v5 =	vsub.s32 v5, v0;
	v7 =	vsel vm0, v7, v1;
	vm0 =	vlt.u32 v6, $0x30E0  }
0x97: {  	vm1 =	vlt.u32 v5, $0x30E0;
	[tilespmem:$0x4060] =	vst v7;
	v6 =	vsel vm0, v6, v1  }
0x98: {  	v4 =	vsub.s32 v4, v0;
	v5 =	vsel vm1, v5, v1;
	v7 =	vsub.s32 v9, v0;
	[tilespmem:$0x4070] =	vst v6  }
0x99: {  	vm0 =	vlt.u32 v4, $0x30E0;
	[tilespmem:$0x4040] =	vst v5;
	vm1 =	vlt.u32 v7, $0x30E0  }
0x9a: {  	v4 =	vsel vm0, v4, v1;
	v5 =	vsub.s32 v10, v0;
	v6 =	vsel vm1, v7, v1  }
0x9b: {  	v3 =	vsub.s32 v3, v0;
	[tilespmem:$0x4000] =	vst v4;
	vm0 =	vlt.u32 v5, $0x30E0  }
0x9c: {  	v4 =	vsel vm0, v5, v1;
	vm0 =	vlt.u32 v3, $0x30E0;
	[tilespmem:$0x4050] =	vst v6  }
0x9d: {  	[tilespmem:$0x4010] =	vst v4;
	v3 =	vsel vm0, v3, v1  }
0x9e: {  	[tilespmem:$0x4030] =	vst v3  }
0x9f: {  	[spmem:s2] =	stream.indirect.scatter.add.f32 [tilespmem:s3], [sflag:$0x1], $0x80, s21, s22, $0xb8;
	[tilespmem:$0x1D080] =	vst v63  }
0xa0: {  	_ =	swait.ge [sflag:s19], $0x4000  }
0xa1: {  	[sflag:s19] =	ssyncset.done $0x0  }
0xa2: {  	s31 =	sadd.s32 s31, s17;
	[sflag:s19] =	ssyncadd.s32 $0xFFFFC000  }
0xa3: {  	[tilespmem:s21], [sflag:$0x1] =	stream.linear.gather [hbm4b:s31+s3], $0x80, $0x38;
	[tilespmem:$0x1D080] =	vst v63  }
0xa4: {  	_ =	swait.ge [sflag:s19], $0x80  }
0xa5: {  	[sflag:s19] =	ssyncset.done $0x0  }
0xa6: {  	[sflag:s19] =	ssyncadd.s32 $0xFFFFFF80  }
0xa7: {  	[tilespmem:s3], [sflag:$0x1] =	stream.linear.gather [hbm4b:s30+s3], $0x4000, $0x38;
	[tilespmem:$0x1D080] =	vst v63  }
0xa8: {  	_ =	swait.ge [sflag:s19], $0x4000  }
0xa9: {  	[sflag:s19] =	ssyncset.done $0x0  }
0xaa: {  	[sflag:s19] =	ssyncadd.s32 $0xFFFFC000  }
0xab: {  	v8 =	vld [tilespmem:$0x4020]  }
.Ltmp5:
0xac: {  	v3 =	vld [tilespmem:$0x4030];
	(pc) =	sbr.rel @p1 .LBB2_3-.Ltmp5, $4  }
0xad: {  	v7 =	vld [tilespmem:$0x4060]  }
0xae: {  	v6 =	vld [tilespmem:$0x4070]  }
0xaf: {  	v5 =	vld [tilespmem:$0x4040]  }
0xb0: {  	v4 =	vld [tilespmem:$0x4000];
	v8 =	vsub.s32 v8, v0  }
0xb1: {  	v9 =	vld [tilespmem:$0x4050];
	vm0 =	vlt.u32 v8, $0x30E0;
	v3 =	vsub.s32 v3, v0  }
0xb2: {  	v10 =	vld [tilespmem:$0x4010];
	v7 =	vsub.s32 v7, v0;
	v8 =	vsel vm0, v8, v1;
	vm15 =	vlt.u32 v3, $0x30E0  }
0xb3: {  	vm10 =	vlt.u32 v7, $0x30E0;
	v6 =	vsub.s32 v6, v0;
	[tilespmem:$0x4020] =	vst v8;
	v3 =	vsel vm15, v3, v1  }
0xb4: {  	v5 =	vsub.s32 v5, v0;
	v7 =	vsel vm10, v7, v1;
	vm11 =	vlt.u32 v6, $0x30E0;
	[tilespmem:$0x4030] =	vst v3  }
0xb5: {  	vm1 =	vlt.u32 v5, $0x30E0;
	[tilespmem:$0x4060] =	vst v7;
	v6 =	vsel vm11, v6, v1;
	v4 =	vsub.s32 v4, v0  }
0xb6: {  	v5 =	vsel vm1, v5, v1;
	v60 =	vsub.s32 v9, v0;
	[tilespmem:$0x4070] =	vst v6;
	vm12 =	vlt.u32 v4, $0x30E0  }
0xb7: {  	v61 =	vsub.s32 v10, v0;
	[tilespmem:$0x4040] =	vst v5;
	vm13 =	vlt.u32 v60, $0x30E0;
	v4 =	vsel vm12, v4, v1  }
0xb8: {  	vm14 =	vlt.u32 v61, $0x30E0;
	v62 =	vsel vm13, v60, v1;
	[tilespmem:$0x4000] =	vst v4  }
0xb9: {  	v63 =	vsel vm14, v61, v1;
	[tilespmem:$0x4050] =	vst v62  }
0xba: {  	[tilespmem:$0x4010] =	vst v63  }
0xbb: {  	[spmem:s2] =	stream.indirect.scatter.add.f32 [tilespmem:s3], [sflag:$0x1], $0x80, s21, s22, $0xb8;
	[tilespmem:$0x1D080] =	vst v63  }
0xbc: {  	_ =	swait.ge [sflag:s19], $0x4000  }
0xbd: {  	[sflag:s19] =	ssyncset.done $0x0  }
0xbe: {  	[sflag:s19] =	ssyncadd.s32 $0xFFFFC000  }
0xbf: {  	s29 =	sshrl.u32 s6, $0x3;
	[bflag:$0x0] =	sbarrier.arrive $0xFFFF  }
0xc0: {  	[hbm:s7], [sflag:s5] =	dma.local [spmem:s29], $0x3100  }
0xc1: {  	_ =	swait.ge [sflag:s19], $0x3100  }
0xc2: {  	[sflag:s19] =	ssyncset.done $0x0  }
0xc3: {  	[sflag:s19] =	ssyncadd.s32 $0xFFFFCF00  }
.LBB2_8:
0xc4: {  	[bflag:$0x0] =	sbarrier.arrive $0xFFFF  }
0xc5: {  	[spmem:s18], [sflag:s5] =	dma.local [hbm:s4], $0xA00  }
0xc6: {  	_ =	swait.ge [sflag:s19], $0xA00  }
0xc7: {  	[sflag:s19] =	ssyncset.done $0x0  }
0xc8: {  	[sflag:s19] =	ssyncadd.s32 $0xFFFFF600  }
0xc9: {  	[spmem:s20], [sflag:s5] =	dma.local [hbm:s4], $0xA00  }
0xca: {  	_ =	swait.ge [sflag:s19], $0xA00  }
0xcb: {  	[sflag:s19] =	ssyncset.done $0x0  }
0xcc: {  	[sflag:s19] =	ssyncadd.s32 $0xFFFFF600  }
0xcd: {  	[spmem:s25], [sflag:s5] =	dma.local [hbm:s4], $0xA00  }
0xce: {  	_ =	swait.ge [sflag:s19], $0xA00  }
0xcf: {  	[sflag:s19] =	ssyncset.done $0x0  }
0xd0: {  	[sflag:s19] =	ssyncadd.s32 $0xFFFFF600  }
0xd1: {  	[spmem:s26], [sflag:s5] =	dma.local [hbm:s4], $0xA00  }
0xd2: {  	_ =	swait.ge [sflag:s19], $0xA00  }
0xd3: {  	[sflag:s19] =	ssyncset.done $0x0  }
0xd4: {  	[sflag:s19] =	ssyncadd.s32 $0xFFFFF600  }
0xd5: {  	[spmem:s28], [sflag:s5] =	dma.local [hbm:s4], $0xA00  }
.Ltmp6:
0xd6: {  	_ =	swait.ge [sflag:s19], $0xA00;
	(pc) =	sbr.rel @!p0 .LBB2_9-.Ltmp6, $4  }
0xd7: {  	[sflag:s19] =	ssyncset.done $0x0  }
0xd8: {  	[sflag:s19] =	ssyncadd.s32 $0xFFFFF600  }
0xd9: {  	[bflag:$0x0] =	sbarrier.arrive $0xFFFF  }
0xda: {  	s25 =	sadd.s32 $0x0, s17  }
0xdb: {  	[tilespmem:s21], [sflag:$0x1] =	stream.linear.gather [hbm4b:s25+s3], $0x80, $0x38;
	[tilespmem:$0x1D080] =	vst v63  }
0xdc: {  	_ =	swait.ge [sflag:s19], $0x80  }
0xdd: {  	[sflag:s19] =	ssyncset.done $0x0  }
0xde: {  	[sflag:s19] =	ssyncadd.s32 $0xFFFFFF80  }
0xdf: {  	[tilespmem:s3], [sflag:$0x1] =	stream.linear.gather [hbm4b:s16+s3], $0x4000, $0x38;
	[tilespmem:$0x1D080] =	vst v63  }
0xe0: {  	_ =	swait.ge [sflag:s19], $0x4000  }
0xe1: {  	[sflag:s19] =	ssyncset.done $0x0  }
0xe2: {  	[sflag:s19] =	ssyncadd.s32 $0xFFFFC000  }
0xe3: {  	v8 =	vld [tilespmem:$0x4020]  }
0xe4: {  	v3 =	vld [tilespmem:$0x4030]  }
0xe5: {  	v7 =	vld [tilespmem:$0x4060]  }
0xe6: {  	v6 =	vld [tilespmem:$0x4070]  }
0xe7: {  	v5 =	vld [tilespmem:$0x4040]  }
0xe8: {  	s25 =	simm.s32 $0x10;
	s26 =	smov.u32 s16;
	v4 =	vld [tilespmem:$0x4000];
	v8 =	vsub.s32 v8, v2  }
.LBB2_13:
0xe9: {  	p1 =	sne.s32 s25, $0x1800  }
0xea: {  	vm0 =	vlt.u32 v8, $0x30E0;
	v9 =	vld [tilespmem:$0x4050];
	s26 =	sadd.s32 $0x800, s26;
	s28 =	smov.u32 s25;
	s25 =	sadd.s32 $0x10, s25  }
0xeb: {  	v7 =	vsub.s32 v7, v2;
	v8 =	vsel vm0, v8, v1  }
0xec: {  	v6 =	vsub.s32 v6, v2;
	vm0 =	vlt.u32 v7, $0x30E0;
	v10 =	vld [tilespmem:$0x4010]  }
0xed: {  	v5 =	vsub.s32 v5, v2;
	v7 =	vsel vm0, v7, v1;
	vm0 =	vlt.u32 v6, $0x30E0;
	[tilespmem:$0x4020] =	vst v8  }
0xee: {  	vm1 =	vlt.u32 v5, $0x30E0;
	v6 =	vsel vm0, v6, v1;
	[tilespmem:$0x4060] =	vst v7  }
0xef: {  	v4 =	vsub.s32 v4, v2;
	v5 =	vsel vm1, v5, v1;
	v7 =	vsub.s32 v9, v2;
	[tilespmem:$0x4070] =	vst v6  }
0xf0: {  	vm0 =	vlt.u32 v4, $0x30E0;
	[tilespmem:$0x4040] =	vst v5;
	vm1 =	vlt.u32 v7, $0x30E0  }
0xf1: {  	v4 =	vsel vm0, v4, v1;
	v5 =	vsub.s32 v10, v2;
	v6 =	vsel vm1, v7, v1  }
0xf2: {  	v3 =	vsub.s32 v3, v2;
	[tilespmem:$0x4000] =	vst v4;
	vm0 =	vlt.u32 v5, $0x30E0  }
0xf3: {  	v4 =	vsel vm0, v5, v1;
	vm0 =	vlt.u32 v3, $0x30E0;
	[tilespmem:$0x4050] =	vst v6  }
0xf4: {  	[tilespmem:$0x4010] =	vst v4;
	v3 =	vsel vm0, v3, v1  }
0xf5: {  	[tilespmem:$0x4030] =	vst v3  }
0xf6: {  	[spmem:s2] =	stream.indirect.scatter.add.f32 [tilespmem:s3], [sflag:$0x1], $0x80, s21, s22, $0xb8;
	[tilespmem:$0x1D080] =	vst v63  }
0xf7: {  	_ =	swait.ge [sflag:s19], $0x4000  }
0xf8: {  	[sflag:s19] =	ssyncset.done $0x0  }
0xf9: {  	s28 =	sadd.s32 s28, s17;
	[sflag:s19] =	ssyncadd.s32 $0xFFFFC000  }
0xfa: {  	[tilespmem:s21], [sflag:$0x1] =	stream.linear.gather [hbm4b:s28+s3], $0x80, $0x38;
	[tilespmem:$0x1D080] =	vst v63  }
0xfb: {  	_ =	swait.ge [sflag:s19], $0x80  }
0xfc: {  	[sflag:s19] =	ssyncset.done $0x0  }
0xfd: {  	[sflag:s19] =	ssyncadd.s32 $0xFFFFFF80  }
0xfe: {  	[tilespmem:s3], [sflag:$0x1] =	stream.linear.gather [hbm4b:s26+s3], $0x4000, $0x38;
	[tilespmem:$0x1D080] =	vst v63  }
0xff: {  	_ =	swait.ge [sflag:s19], $0x4000  }
0x100: {  	[sflag:s19] =	ssyncset.done $0x0  }
0x101: {  	[sflag:s19] =	ssyncadd.s32 $0xFFFFC000  }
0x102: {  	v8 =	vld [tilespmem:$0x4020]  }
.Ltmp7:
0x103: {  	v3 =	vld [tilespmem:$0x4030];
	(pc) =	sbr.rel @p1 .LBB2_13-.Ltmp7, $4  }
0x104: {  	v7 =	vld [tilespmem:$0x4060]  }
0x105: {  	v6 =	vld [tilespmem:$0x4070]  }
0x106: {  	v5 =	vld [tilespmem:$0x4040]  }
0x107: {  	v4 =	vld [tilespmem:$0x4000];
	v8 =	vsub.s32 v8, v2  }
.Ltmp8:
0x108: {  	_ = 	snop;
	(pc) =	sbr.rel .LBB2_14-.Ltmp8, $1  }
0x109: {  	_ =	sdelay $0x3  }
.LBB2_9:
0x10a: {  	[tilespmem:s21], [sflag:$0x1] =	stream.linear.gather [hbm4b:s25+s3], $0x80, $0x38;
	[tilespmem:$0x1D080] =	vst v63  }
0x10b: {  	_ =	swait.ge [sflag:s19], $0x80  }
0x10c: {  	[sflag:s19] =	ssyncset.done $0x0  }
0x10d: {  	[sflag:s19] =	ssyncadd.s32 $0xFFFFFF80  }
0x10e: {  	[tilespmem:s3], [sflag:$0x1] =	stream.linear.gather [hbm4b:s16+s3], $0x4000, $0x38;
	[tilespmem:$0x1D080] =	vst v63  }
0x10f: {  	_ =	swait.ge [sflag:s19], $0x4000  }
0x110: {  	[sflag:s19] =	ssyncset.done $0x0  }
0x111: {  	[sflag:s19] =	ssyncadd.s32 $0xFFFFC000  }
0x112: {  	v8 =	vld [tilespmem:$0x4020]  }
0x113: {  	v3 =	vld [tilespmem:$0x4030]  }
0x114: {  	v7 =	vld [tilespmem:$0x4060]  }
0x115: {  	v6 =	vld [tilespmem:$0x4070]  }
0x116: {  	v5 =	vld [tilespmem:$0x4040]  }
0x117: {  	s25 =	simm.s32 $0x10;
	s26 =	smov.u32 s16;
	v4 =	vld [tilespmem:$0x4000];
	v8 =	vsub.s32 v8, v2  }
.LBB2_10:
0x118: {  	p1 =	sne.s32 s25, $0x1860  }
0x119: {  	vm0 =	vlt.u32 v8, $0x30E0;
	v9 =	vld [tilespmem:$0x4050];
	s26 =	sadd.s32 $0x800, s26;
	s28 =	smov.u32 s25;
	s25 =	sadd.s32 $0x10, s25  }
0x11a: {  	v8 =	vsel vm0, v8, v1;
	v7 =	vsub.s32 v7, v2  }
0x11b: {  	v10 =	vld [tilespmem:$0x4010];
	vm0 =	vlt.u32 v7, $0x30E0;
	v6 =	vsub.s32 v6, v2  }
0x11c: {  	[tilespmem:$0x4020] =	vst v8;
	v5 =	vsub.s32 v5, v2;
	v7 =	vsel vm0, v7, v1;
	vm0 =	vlt.u32 v6, $0x30E0  }
0x11d: {  	vm1 =	vlt.u32 v5, $0x30E0;
	[tilespmem:$0x4060] =	vst v7;
	v6 =	vsel vm0, v6, v1  }
0x11e: {  	v4 =	vsub.s32 v4, v2;
	v5 =	vsel vm1, v5, v1;
	v7 =	vsub.s32 v9, v2;
	[tilespmem:$0x4070] =	vst v6  }
0x11f: {  	vm0 =	vlt.u32 v4, $0x30E0;
	[tilespmem:$0x4040] =	vst v5;
	vm1 =	vlt.u32 v7, $0x30E0  }
0x120: {  	v4 =	vsel vm0, v4, v1;
	v5 =	vsub.s32 v10, v2;
	v6 =	vsel vm1, v7, v1  }
0x121: {  	v3 =	vsub.s32 v3, v2;
	[tilespmem:$0x4000] =	vst v4;
	vm0 =	vlt.u32 v5, $0x30E0  }
0x122: {  	v4 =	vsel vm0, v5, v1;
	vm0 =	vlt.u32 v3, $0x30E0;
	[tilespmem:$0x4050] =	vst v6  }
0x123: {  	[tilespmem:$0x4010] =	vst v4;
	v3 =	vsel vm0, v3, v1  }
0x124: {  	[tilespmem:$0x4030] =	vst v3  }
0x125: {  	[spmem:s2] =	stream.indirect.scatter.add.f32 [tilespmem:s3], [sflag:$0x1], $0x80, s21, s22, $0xb8;
	[tilespmem:$0x1D080] =	vst v63  }
0x126: {  	_ =	swait.ge [sflag:s19], $0x4000  }
0x127: {  	[sflag:s19] =	ssyncset.done $0x0  }
0x128: {  	s28 =	sadd.s32 s28, s17;
	[sflag:s19] =	ssyncadd.s32 $0xFFFFC000  }
0x129: {  	[tilespmem:s21], [sflag:$0x1] =	stream.linear.gather [hbm4b:s28+s3], $0x80, $0x38;
	[tilespmem:$0x1D080] =	vst v63  }
0x12a: {  	_ =	swait.ge [sflag:s19], $0x80  }
0x12b: {  	[sflag:s19] =	ssyncset.done $0x0  }
0x12c: {  	[sflag:s19] =	ssyncadd.s32 $0xFFFFFF80  }
0x12d: {  	[tilespmem:s3], [sflag:$0x1] =	stream.linear.gather [hbm4b:s26+s3], $0x4000, $0x38;
	[tilespmem:$0x1D080] =	vst v63  }
0x12e: {  	_ =	swait.ge [sflag:s19], $0x4000  }
0x12f: {  	[sflag:s19] =	ssyncset.done $0x0  }
0x130: {  	[sflag:s19] =	ssyncadd.s32 $0xFFFFC000  }
0x131: {  	v8 =	vld [tilespmem:$0x4020]  }
.Ltmp9:
0x132: {  	v3 =	vld [tilespmem:$0x4030];
	(pc) =	sbr.rel @p1 .LBB2_10-.Ltmp9, $4  }
0x133: {  	v7 =	vld [tilespmem:$0x4060]  }
0x134: {  	v6 =	vld [tilespmem:$0x4070]  }
0x135: {  	v5 =	vld [tilespmem:$0x4040]  }
0x136: {  	v4 =	vld [tilespmem:$0x4000];
	v8 =	vsub.s32 v8, v2  }
0x137: {  	v9 =	vld [tilespmem:$0x4050];
	vm0 =	vlt.u32 v8, $0x30E0;
	v3 =	vsub.s32 v3, v2  }
0x138: {  	v10 =	vld [tilespmem:$0x4010];
	v7 =	vsub.s32 v7, v2;
	v8 =	vsel vm0, v8, v1;
	vm15 =	vlt.u32 v3, $0x30E0  }
0x139: {  	vm10 =	vlt.u32 v7, $0x30E0;
	v6 =	vsub.s32 v6, v2;
	[tilespmem:$0x4020] =	vst v8;
	v3 =	vsel vm15, v3, v1  }
0x13a: {  	v5 =	vsub.s32 v5, v2;
	v7 =	vsel vm10, v7, v1;
	vm11 =	vlt.u32 v6, $0x30E0;
	[tilespmem:$0x4030] =	vst v3  }
0x13b: {  	vm1 =	vlt.u32 v5, $0x30E0;
	[tilespmem:$0x4060] =	vst v7;
	v6 =	vsel vm11, v6, v1;
	v4 =	vsub.s32 v4, v2  }
0x13c: {  	v5 =	vsel vm1, v5, v1;
	v60 =	vsub.s32 v9, v2;
	[tilespmem:$0x4070] =	vst v6;
	vm12 =	vlt.u32 v4, $0x30E0  }
0x13d: {  	v61 =	vsub.s32 v10, v2;
	[tilespmem:$0x4040] =	vst v5;
	vm13 =	vlt.u32 v60, $0x30E0;
	v4 =	vsel vm12, v4, v1  }
0x13e: {  	vm14 =	vlt.u32 v61, $0x30E0;
	v62 =	vsel vm13, v60, v1;
	[tilespmem:$0x4000] =	vst v4  }
0x13f: {  	v63 =	vsel vm14, v61, v1;
	[tilespmem:$0x4050] =	vst v62  }
0x140: {  	[tilespmem:$0x4010] =	vst v63  }
0x141: {  	[spmem:s2] =	stream.indirect.scatter.add.f32 [tilespmem:s3], [sflag:$0x1], $0x80, s21, s22, $0xb8;
	[tilespmem:$0x1D080] =	vst v63  }
0x142: {  	_ =	swait.ge [sflag:s19], $0x4000  }
0x143: {  	[sflag:s19] =	ssyncset.done $0x0  }
0x144: {  	[sflag:s19] =	ssyncadd.s32 $0xFFFFC000  }
.Ltmp10:
0x145: {  	s25 =	sshrl.u32 s6, $0x3;
	[bflag:$0x0] =	sbarrier.arrive $0xFFFF;
	(pc) =	sbr.rel .LBB2_15-.Ltmp10, $4  }
0x146: {  	[hbm:s10], [sflag:s5] =	dma.local [spmem:s25], $0x3100  }
0x147: {  	_ =	swait.ge [sflag:s19], $0x3100  }
0x148: {  	[sflag:s19] =	ssyncset.done $0x0  }
0x149: {  	[sflag:s19] =	ssyncadd.s32 $0xFFFFCF00  }
.LBB2_16:
0x14a: {  	_ =	sfence.sel $0x180000  }
0x14b: {  	[bflag:$0x0] =	sbarrier.arrive $0xFFFF  }
0x14c: {  	p0 =	sne.s32 s1, $0x0;
	_ =	strace $0x9000004A  }
0x14d: {  	s0 =	sadd.s32 @!p0 $0x100000, s0;
	[bflag:$0x2] =	sbarrier.arrive $0xFFFF  }
0x14e: {  	[sflag:s0] =	ssyncadd.tile.s32 @!p0 $0x1;
	_ =	shalt  }
.Lfunc_end2:
_tile_overlayer_lowered:
.L_overlay_start_2:
0x14f: {  	(tag) =	ssettag $0x2  }
0x150: {  	s0 =	rddreg [dreg:$0x0];
	s2 =	stileid.u32  }
0x151: {  	s1 =	rddreg [dreg:$0x1];
	p0 =	sne.s32 s2, $0x0  }
0x152: {  	s3 =	rddreg [dreg:$0x2];
	[bflag:$0x3] =	sbarrier.arrive $0xFFFF;
	s2 =	simm.s32 @!p0 $0x1C01  }
0x153: {  	[timem:s3], [sflag:s2] =	dma.local @!p0 [hbm:s0], s1  }
0x154: {  	s0 =	simm.s32 @!p0 $0x1  }
0x155: {  	_ =	swait.ge @!p0 [sflag:s0], s1  }
0x156: {  	s1 =	ssub.s32 @!p0 $0x0, s1;
	[sflag:s0] =	ssyncset.done @!p0 $0x0  }
0x157: {  	[sflag:s0] =	ssyncadd.s32 @!p0 s1  }
0x158: {  	[bflag:$0x3] =	sbarrier.arrive $0xFFFF  }
0x159: {  	_ =	shalt  }

</sc_bundles>
